<compile_context>
chip_gen: v7x
topology: tpu7x:2x2x1
jax: 0.10.2.dev20260603
libtpu: 0.0.44.dev20260713+nightly
codegen_flags: <defaults>
</compile_context>

<pallas_src>
import functools
import math

import jax
import jax.numpy as jnp
from jax import lax
from jax.experimental import pallas as pl
from jax.experimental.pallas import tpu as pltpu
from jax.experimental.pallas import tpu_sc as plsc

D_MODEL = 1024
LENGTH = 8192


_ROWS_PER_BLOCK = 512


def _freq(d):
    dpair = d - (d % 2)
    return jnp.exp(dpair.astype(jnp.float32) * (-math.log(10000.0) / D_MODEL))


def _pe_body(out_ref, cl_ref, sl_ref):
    i = pl.program_id(0)

    @pl.when(i == 0)
    def _init():
        shape_a = (16, D_MODEL)
        shape_b = (32, D_MODEL)
        arga = (lax.broadcasted_iota(jnp.int32, shape_a, 0).astype(jnp.float32)
                * 32.0) * _freq(lax.broadcasted_iota(jnp.int32, shape_a, 1))
        argb = (lax.broadcasted_iota(jnp.int32, shape_b, 0).astype(jnp.float32)
                * _freq(lax.broadcasted_iota(jnp.int32, shape_b, 1)))
        sa = jnp.sin(arga)
        ca = jnp.sin(arga + math.pi / 2)
        sb = jnp.sin(argb)
        cb = jnp.sin(argb + math.pi / 2)
        for a in range(16):
            caa = ca[a:a + 1, :]
            saa = sa[a:a + 1, :]
            cl_ref[pl.ds(32 * a, 32), :] = caa * cb - saa * sb
            sl_ref[pl.ds(32 * a, 32), :] = saa * cb + caa * sb

    shape1 = (1, D_MODEL)
    d1 = lax.broadcasted_iota(jnp.int32, shape1, 1)
    bf = (i * _ROWS_PER_BLOCK).astype(jnp.float32) * _freq(d1)
    sbf = jnp.sin(bf)
    cbf = jnp.sin(bf + math.pi / 2)
    even1 = (d1 % 2) == 0
    u = jnp.where(even1, sbf, cbf)
    v = jnp.where(even1, cbf, -sbf)
    out_ref[...] = u * cl_ref[...] + v * sl_ref[...]


def _build_pe():
    return pl.pallas_call(
        _pe_body,
        out_shape=jax.ShapeDtypeStruct((LENGTH, D_MODEL), jnp.float32),
        grid=(LENGTH // _ROWS_PER_BLOCK,),
        out_specs=pl.BlockSpec((_ROWS_PER_BLOCK, D_MODEL), lambda i: (i, 0)),
        scratch_shapes=[
            pltpu.VMEM((_ROWS_PER_BLOCK, D_MODEL), jnp.float32),
            pltpu.VMEM((_ROWS_PER_BLOCK, D_MODEL), jnp.float32),
        ],
    )()



_NC = 2
_NS = 16
_NW = _NC * _NS
_B = 32768
_BPW = _B // _NW
_CHUNK = 32
_NCHUNK = _BPW // _CHUNK


@functools.cache
def _gather_kernel():
    mesh = plsc.VectorSubcoreMesh(core_axis_name="c", subcore_axis_name="s")

    @functools.partial(
        pl.kernel,
        mesh=mesh,
        out_type=jax.ShapeDtypeStruct((_B, D_MODEL), jnp.float32),
        scratch_types=[
            pltpu.VMEM((_BPW,), jnp.int32),
            pltpu.VMEM((_CHUNK, D_MODEL), jnp.float32),
            pltpu.VMEM((_CHUNK, D_MODEL), jnp.float32),
            pltpu.SemaphoreType.DMA,
            pltpu.SemaphoreType.DMA,
            pltpu.SemaphoreType.DMA,
            pltpu.SemaphoreType.DMA,
        ],
    )
    def gather(table_hbm, idx_hbm, out_hbm, idx_all, buf0, buf1,
               gsem0, gsem1, wsem0, wsem1):
        wid = lax.axis_index("s") * _NC + lax.axis_index("c")
        base = wid * _BPW
        pltpu.sync_copy(idx_hbm.at[pl.ds(base, _BPW)], idx_all)

        bufs = (buf0, buf1)
        gsems = (gsem0, gsem1)
        wsems = (wsem0, wsem1)

        def gcopy(c, b):
            return pltpu.make_async_copy(
                table_hbm.at[idx_all.at[pl.ds(c * _CHUNK, _CHUNK)]],
                bufs[b], gsems[b])

        def wcopy(c, b):
            return pltpu.make_async_copy(
                bufs[b], out_hbm.at[pl.ds(base + c * _CHUNK, _CHUNK)],
                wsems[b])

        gcopy(0, 0).start()
        gcopy(1, 1).start()
        gcopy(0, 0).wait()
        wcopy(0, 0).start()

        def body(c0, carry):
            for j in range(2):
                c = c0 * 2 + 1 + j
                b = (1 + j) % 2
                wcopy(c - 1, (b + 1) % 2).wait()
                gcopy(c + 1, (b + 1) % 2).start()
                gcopy(c, b).wait()
                wcopy(c, b).start()
            return carry

        lax.fori_loop(0, (_NCHUNK - 2) // 2, body, 0)

        c_last = _NCHUNK - 1
        b_last = c_last % 2
        wcopy(c_last - 1, (b_last + 1) % 2).wait()
        gcopy(c_last, b_last).wait()
        wcopy(c_last, b_last).start()
        wcopy(c_last, b_last).wait()

    return gather


def kernel(x):
    pe = _build_pe()
    flat = x.reshape(-1)
    out = _gather_kernel()(pe, flat)
    return out.reshape(x.shape + (D_MODEL,))

# --- scband reference (transcript-rebuilt; emitter-appended) ---
"""Pipeline reference for scband-positional-encoding1-d-90331752169685 (READ-ONLY COPY).

The authoritative reference and input builder live on the scoring server;
editing this copy changes nothing except your own understanding.
"""

import jax, jax.numpy as jnp
import numpy as np

D_MODEL = 1024
LENGTH = 8192
BATCH = 4
SEQ = 8192


def make_pe(d_model, length):
    position = jnp.arange(0, length, dtype=jnp.float32)[:, None]
    div_term = jnp.exp(jnp.arange(0, d_model, 2, dtype=jnp.float32) * -(np.log(10000.0) / d_model))
    pe = jnp.zeros((length, d_model), dtype=jnp.float32)
    pe = pe.at[:, 0::2].set(jnp.sin(position * div_term))
    pe = pe.at[:, 1::2].set(jnp.cos(position * div_term))
    return pe


def setup_inputs(seed: int = 0) -> dict:
    key = jax.random.key(seed)
    x = jax.random.randint(key, (BATCH, SEQ), 0, LENGTH, dtype=jnp.int32)
    return {"x": x}


def reference(x):
    # Faithful translation: build sinusoidal PE table [LENGTH, D_MODEL], then gather rows by x.
    pe = make_pe(D_MODEL, LENGTH)
    return jnp.take(pe, x, axis=0)

if __name__ == "__main__":
    import jax
    _d = setup_inputs()
    print(jax.jit(kernel)(*tuple(_d.values())))

</pallas_src>

<mosaic_0001>
#map = affine_map<(d0, d1) -> (0, 0)>
#map1 = affine_map<(d0, d1) -> (0)>
module attributes {stable_mosaic.version = 14 : i64} {
  func.func @gather(%arg0: i32, %arg1: i32, %arg2: memref<8192x1024xf32, #tpu.memory_space<hbm>>, %arg3: memref<32768xi32, #tpu.memory_space<hbm>>, %arg4: memref<32768x1024xf32, #tpu.memory_space<hbm>>, %arg5: memref<1024xi32, #tpu.memory_space<vmem>>, %arg6: memref<32x1024xf32, #tpu.memory_space<vmem>>, %arg7: memref<32x1024xf32, #tpu.memory_space<vmem>>, %arg8: memref<!tpu.dma_semaphore, #tpu.memory_space<semaphore_mem>>, %arg9: memref<!tpu.dma_semaphore, #tpu.memory_space<semaphore_mem>>, %arg10: memref<!tpu.dma_semaphore, #tpu.memory_space<semaphore_mem>>, %arg11: memref<!tpu.dma_semaphore, #tpu.memory_space<semaphore_mem>>) attributes {dimension_semantics = [#tpu.dimension_semantics<core_parallel>, #tpu.dimension_semantics<subcore_parallel>], iteration_bounds = array<i64: 2, 16>, scalar_prefetch = 0 : i64, scratch_operands = 7 : i64, tpu.core_type = #tpu.core_type<sc_vector_subcore>, window_params = [{transform_indices = #map}, {transform_indices = #map1}, {transform_indices = #map}]} {
    %mul3A = arith.constant 2 : i32
    %mul3A_0 = arith.muli %arg1, %mul3A : i32
    %add3A = arith.addi %mul3A_0, %arg0 : i32
    %mul3A_1 = arith.constant 1024 : i32
    %mul3A_2 = arith.muli %add3A, %mul3A_1 : i32
    "tpu.region"() ({
      %run_scoped3A = tpu.sem_alloc : memref<!tpu.dma_semaphore, #tpu.memory_space<semaphore_mem>>
      %dma_start3A_50 = tpu.memref_slice %arg3[%mul3A_2] : memref<32768xi32, #tpu.memory_space<hbm>> -> memref<1024xi32, #tpu.memory_space<hbm>>
      %dma_start3A_51 = tpu.memref_slice %arg3[%mul3A_2] : memref<32768xi32, #tpu.memory_space<hbm>> -> memref<1024xi32, #tpu.memory_space<hbm>>
      tpu.enqueue_dma source(%dma_start3A_51 : memref<1024xi32, #tpu.memory_space<hbm>>) target(%arg5 : memref<1024xi32, #tpu.memory_space<vmem>>) target_semaphore(%run_scoped3A : memref<!tpu.dma_semaphore, #tpu.memory_space<semaphore_mem>>)
      %dma_wait3A_52 = tpu.memref_slice %arg3[%mul3A_2] : memref<32768xi32, #tpu.memory_space<hbm>> -> memref<1024xi32, #tpu.memory_space<hbm>>
      %dma_wait3A_53 = tpu.memref_slice %arg3[%mul3A_2] : memref<32768xi32, #tpu.memory_space<hbm>> -> memref<1024xi32, #tpu.memory_space<hbm>>
      tpu.wait_dma2 semaphore(%run_scoped3A : memref<!tpu.dma_semaphore, #tpu.memory_space<semaphore_mem>>) src(%dma_wait3A_53 : memref<1024xi32, #tpu.memory_space<hbm>>) dst(%arg5 : memref<1024xi32, #tpu.memory_space<vmem>>)
      tpu.yield
    }) : () -> ()
    %dma_start3A = arith.constant 0 : i32
    %dma_start3A_3 = tpu.memref_slice %arg5[%dma_start3A] : memref<1024xi32, #tpu.memory_space<vmem>> -> memref<32xi32, #tpu.memory_space<vmem>>
    %dma_start3A_4 = arith.constant 0 : i32
    %dma_start3A_5 = arith.constant 0 : i32
    %dma_start3A_6 = tpu.memref_slice %arg2[%dma_start3A_4, %dma_start3A_5] : memref<8192x1024xf32, #tpu.memory_space<hbm>> -> memref<8192x1024xf32, #tpu.memory_space<hbm>>
    tpu.enqueue_indirect_dma source(%dma_start3A_6 : memref<8192x1024xf32, #tpu.memory_space<hbm>>) target(%arg6 : memref<32x1024xf32, #tpu.memory_space<vmem>>) offsets(%dma_start3A_3 : memref<32xi32, #tpu.memory_space<vmem>>) semaphore(%arg8 : memref<!tpu.dma_semaphore, #tpu.memory_space<semaphore_mem>>)
    %dma_start3A_7 = arith.constant 32 : i32
    %dma_start3A_8 = tpu.memref_slice %arg5[%dma_start3A_7] : memref<1024xi32, #tpu.memory_space<vmem>> -> memref<32xi32, #tpu.memory_space<vmem>>
    %dma_start3A_9 = arith.constant 0 : i32
    %dma_start3A_10 = arith.constant 0 : i32
    %dma_start3A_11 = tpu.memref_slice %arg2[%dma_start3A_9, %dma_start3A_10] : memref<8192x1024xf32, #tpu.memory_space<hbm>> -> memref<8192x1024xf32, #tpu.memory_space<hbm>>
    tpu.enqueue_indirect_dma source(%dma_start3A_11 : memref<8192x1024xf32, #tpu.memory_space<hbm>>) target(%arg7 : memref<32x1024xf32, #tpu.memory_space<vmem>>) offsets(%dma_start3A_8 : memref<32xi32, #tpu.memory_space<vmem>>) semaphore(%arg9 : memref<!tpu.dma_semaphore, #tpu.memory_space<semaphore_mem>>)
    %dma_wait3A = arith.constant 0 : i32
    %dma_wait3A_12 = tpu.memref_slice %arg5[%dma_wait3A] : memref<1024xi32, #tpu.memory_space<vmem>> -> memref<32xi32, #tpu.memory_space<vmem>>
    %dma_wait3A_13 = arith.constant 0 : i32
    %dma_wait3A_14 = arith.constant 0 : i32
    %dma_wait3A_15 = tpu.memref_slice %arg2[%dma_wait3A_13, %dma_wait3A_14] : memref<8192x1024xf32, #tpu.memory_space<hbm>> -> memref<8192x1024xf32, #tpu.memory_space<hbm>>
    tpu.wait_indirect_dma semaphore(%arg8 : memref<!tpu.dma_semaphore, #tpu.memory_space<semaphore_mem>>) src(%dma_wait3A_15 : memref<8192x1024xf32, #tpu.memory_space<hbm>>) dst(%arg6 : memref<32x1024xf32, #tpu.memory_space<vmem>>)
    %add3A_16 = arith.constant 0 : i32
    %add3A_17 = arith.addi %mul3A_2, %add3A_16 : i32
    %dma_start3A_18 = arith.constant 0 : i32
    %dma_start3A_19 = tpu.memref_slice %arg4[%add3A_17, %dma_start3A_18] : memref<32768x1024xf32, #tpu.memory_space<hbm>> -> memref<32x1024xf32, #tpu.memory_space<hbm>>
    %dma_start3A_20 = arith.constant 0 : i32
    %dma_start3A_21 = tpu.memref_slice %arg4[%add3A_17, %dma_start3A_20] : memref<32768x1024xf32, #tpu.memory_space<hbm>> -> memref<32x1024xf32, #tpu.memory_space<hbm>>
    tpu.enqueue_dma source(%arg6 : memref<32x1024xf32, #tpu.memory_space<vmem>>) target(%dma_start3A_21 : memref<32x1024xf32, #tpu.memory_space<hbm>>) target_semaphore(%arg10 : memref<!tpu.dma_semaphore, #tpu.memory_space<semaphore_mem>>)
    %scan3A = arith.constant 0 : i32
    %scan3A_22 = arith.constant 0 : i32
    %scan3A_23 = arith.constant 15 : i32
    %scan3A_24 = arith.addi %scan3A_22, %scan3A_23 : i32
    %scan3A_25 = arith.constant 1 : i32
    scf.for %scan3A_50 = %scan3A_22 to %scan3A_24 step %scan3A_25  : i32 {
      %mul3A_51 = arith.constant 2 : i32
      %mul3A_52 = arith.muli %scan3A_50, %mul3A_51 : i32
      %add3A_53 = arith.constant 1 : i32
      %add3A_54 = arith.addi %mul3A_52, %add3A_53 : i32
      %add3A_55 = arith.constant 0 : i32
      %add3A_56 = arith.addi %add3A_54, %add3A_55 : i32
      %sub3A = arith.constant 1 : i32
      %sub3A_57 = arith.subi %add3A_56, %sub3A : i32
      %mul3A_58 = arith.constant 32 : i32
      %mul3A_59 = arith.muli %sub3A_57, %mul3A_58 : i32
      %add3A_60 = arith.addi %mul3A_2, %mul3A_59 : i32
      %dma_wait3A_61 = arith.constant 0 : i32
      %dma_wait3A_62 = tpu.memref_slice %arg4[%add3A_60, %dma_wait3A_61] : memref<32768x1024xf32, #tpu.memory_space<hbm>> -> memref<32x1024xf32, #tpu.memory_space<hbm>>
      %dma_wait3A_63 = arith.constant 0 : i32
      %dma_wait3A_64 = tpu.memref_slice %arg4[%add3A_60, %dma_wait3A_63] : memref<32768x1024xf32, #tpu.memory_space<hbm>> -> memref<32x1024xf32, #tpu.memory_space<hbm>>
      tpu.wait_dma2 semaphore(%arg10 : memref<!tpu.dma_semaphore, #tpu.memory_space<semaphore_mem>>) src(%arg6 : memref<32x1024xf32, #tpu.memory_space<vmem>>) dst(%dma_wait3A_64 : memref<32x1024xf32, #tpu.memory_space<hbm>>)
      %add3A_65 = arith.constant 1 : i32
      %add3A_66 = arith.addi %add3A_56, %add3A_65 : i32
      %mul3A_67 = arith.constant 32 : i32
      %mul3A_68 = arith.muli %add3A_66, %mul3A_67 : i32
      %dma_start3A_69 = tpu.memref_slice %arg5[%mul3A_68] : memref<1024xi32, #tpu.memory_space<vmem>> -> memref<32xi32, #tpu.memory_space<vmem>>
      %dma_start3A_70 = arith.constant 0 : i32
      %dma_start3A_71 = arith.constant 0 : i32
      %dma_start3A_72 = tpu.memref_slice %arg2[%dma_start3A_70, %dma_start3A_71] : memref<8192x1024xf32, #tpu.memory_space<hbm>> -> memref<8192x1024xf32, #tpu.memory_space<hbm>>
      tpu.enqueue_indirect_dma source(%dma_start3A_72 : memref<8192x1024xf32, #tpu.memory_space<hbm>>) target(%arg6 : memref<32x1024xf32, #tpu.memory_space<vmem>>) offsets(%dma_start3A_69 : memref<32xi32, #tpu.memory_space<vmem>>) semaphore(%arg8 : memref<!tpu.dma_semaphore, #tpu.memory_space<semaphore_mem>>)
      %mul3A_73 = arith.constant 32 : i32
      %mul3A_74 = arith.muli %add3A_56, %mul3A_73 : i32
      %dma_wait3A_75 = tpu.memref_slice %arg5[%mul3A_74] : memref<1024xi32, #tpu.memory_space<vmem>> -> memref<32xi32, #tpu.memory_space<vmem>>
      %dma_wait3A_76 = arith.constant 0 : i32
      %dma_wait3A_77 = arith.constant 0 : i32
      %dma_wait3A_78 = tpu.memref_slice %arg2[%dma_wait3A_76, %dma_wait3A_77] : memref<8192x1024xf32, #tpu.memory_space<hbm>> -> memref<8192x1024xf32, #tpu.memory_space<hbm>>
      tpu.wait_indirect_dma semaphore(%arg9 : memref<!tpu.dma_semaphore, #tpu.memory_space<semaphore_mem>>) src(%dma_wait3A_78 : memref<8192x1024xf32, #tpu.memory_space<hbm>>) dst(%arg7 : memref<32x1024xf32, #tpu.memory_space<vmem>>)
      %mul3A_79 = arith.constant 32 : i32
      %mul3A_80 = arith.muli %add3A_56, %mul3A_79 : i32
      %add3A_81 = arith.addi %mul3A_2, %mul3A_80 : i32
      %dma_start3A_82 = arith.constant 0 : i32
      %dma_start3A_83 = tpu.memref_slice %arg4[%add3A_81, %dma_start3A_82] : memref<32768x1024xf32, #tpu.memory_space<hbm>> -> memref<32x1024xf32, #tpu.memory_space<hbm>>
      %dma_start3A_84 = arith.constant 0 : i32
      %dma_start3A_85 = tpu.memref_slice %arg4[%add3A_81, %dma_start3A_84] : memref<32768x1024xf32, #tpu.memory_space<hbm>> -> memref<32x1024xf32, #tpu.memory_space<hbm>>
      tpu.enqueue_dma source(%arg7 : memref<32x1024xf32, #tpu.memory_space<vmem>>) target(%dma_start3A_85 : memref<32x1024xf32, #tpu.memory_space<hbm>>) target_semaphore(%arg11 : memref<!tpu.dma_semaphore, #tpu.memory_space<semaphore_mem>>)
      %mul3A_86 = arith.constant 2 : i32
      %mul3A_87 = arith.muli %scan3A_50, %mul3A_86 : i32
      %add3A_88 = arith.constant 1 : i32
      %add3A_89 = arith.addi %mul3A_87, %add3A_88 : i32
      %add3A_90 = arith.constant 1 : i32
      %add3A_91 = arith.addi %add3A_89, %add3A_90 : i32
      %sub3A_92 = arith.constant 1 : i32
      %sub3A_93 = arith.subi %add3A_91, %sub3A_92 : i32
      %mul3A_94 = arith.constant 32 : i32
      %mul3A_95 = arith.muli %sub3A_93, %mul3A_94 : i32
      %add3A_96 = arith.addi %mul3A_2, %mul3A_95 : i32
      %dma_wait3A_97 = arith.constant 0 : i32
      %dma_wait3A_98 = tpu.memref_slice %arg4[%add3A_96, %dma_wait3A_97] : memref<32768x1024xf32, #tpu.memory_space<hbm>> -> memref<32x1024xf32, #tpu.memory_space<hbm>>
      %dma_wait3A_99 = arith.constant 0 : i32
      %dma_wait3A_100 = tpu.memref_slice %arg4[%add3A_96, %dma_wait3A_99] : memref<32768x1024xf32, #tpu.memory_space<hbm>> -> memref<32x1024xf32, #tpu.memory_space<hbm>>
      tpu.wait_dma2 semaphore(%arg11 : memref<!tpu.dma_semaphore, #tpu.memory_space<semaphore_mem>>) src(%arg7 : memref<32x1024xf32, #tpu.memory_space<vmem>>) dst(%dma_wait3A_100 : memref<32x1024xf32, #tpu.memory_space<hbm>>)
      %add3A_101 = arith.constant 1 : i32
      %add3A_102 = arith.addi %add3A_91, %add3A_101 : i32
      %mul3A_103 = arith.constant 32 : i32
      %mul3A_104 = arith.muli %add3A_102, %mul3A_103 : i32
      %dma_start3A_105 = tpu.memref_slice %arg5[%mul3A_104] : memref<1024xi32, #tpu.memory_space<vmem>> -> memref<32xi32, #tpu.memory_space<vmem>>
      %dma_start3A_106 = arith.constant 0 : i32
      %dma_start3A_107 = arith.constant 0 : i32
      %dma_start3A_108 = tpu.memref_slice %arg2[%dma_start3A_106, %dma_start3A_107] : memref<8192x1024xf32, #tpu.memory_space<hbm>> -> memref<8192x1024xf32, #tpu.memory_space<hbm>>
      tpu.enqueue_indirect_dma source(%dma_start3A_108 : memref<8192x1024xf32, #tpu.memory_space<hbm>>) target(%arg7 : memref<32x1024xf32, #tpu.memory_space<vmem>>) offsets(%dma_start3A_105 : memref<32xi32, #tpu.memory_space<vmem>>) semaphore(%arg9 : memref<!tpu.dma_semaphore, #tpu.memory_space<semaphore_mem>>)
      %mul3A_109 = arith.constant 32 : i32
      %mul3A_110 = arith.muli %add3A_91, %mul3A_109 : i32
      %dma_wait3A_111 = tpu.memref_slice %arg5[%mul3A_110] : memref<1024xi32, #tpu.memory_space<vmem>> -> memref<32xi32, #tpu.memory_space<vmem>>
      %dma_wait3A_112 = arith.constant 0 : i32
      %dma_wait3A_113 = arith.constant 0 : i32
      %dma_wait3A_114 = tpu.memref_slice %arg2[%dma_wait3A_112, %dma_wait3A_113] : memref<8192x1024xf32, #tpu.memory_space<hbm>> -> memref<8192x1024xf32, #tpu.memory_space<hbm>>
      tpu.wait_indirect_dma semaphore(%arg8 : memref<!tpu.dma_semaphore, #tpu.memory_space<semaphore_mem>>) src(%dma_wait3A_114 : memref<8192x1024xf32, #tpu.memory_space<hbm>>) dst(%arg6 : memref<32x1024xf32, #tpu.memory_space<vmem>>)
      %mul3A_115 = arith.constant 32 : i32
      %mul3A_116 = arith.muli %add3A_91, %mul3A_115 : i32
      %add3A_117 = arith.addi %mul3A_2, %mul3A_116 : i32
      %dma_start3A_118 = arith.constant 0 : i32
      %dma_start3A_119 = tpu.memref_slice %arg4[%add3A_117, %dma_start3A_118] : memref<32768x1024xf32, #tpu.memory_space<hbm>> -> memref<32x1024xf32, #tpu.memory_space<hbm>>
      %dma_start3A_120 = arith.constant 0 : i32
      %dma_start3A_121 = tpu.memref_slice %arg4[%add3A_117, %dma_start3A_120] : memref<32768x1024xf32, #tpu.memory_space<hbm>> -> memref<32x1024xf32, #tpu.memory_space<hbm>>
      tpu.enqueue_dma source(%arg6 : memref<32x1024xf32, #tpu.memory_space<vmem>>) target(%dma_start3A_121 : memref<32x1024xf32, #tpu.memory_space<hbm>>) target_semaphore(%arg10 : memref<!tpu.dma_semaphore, #tpu.memory_space<semaphore_mem>>)
    }
    %scan3A_26 = arith.constant 15 : i32
    %add3A_27 = arith.constant 960 : i32
    %add3A_28 = arith.addi %mul3A_2, %add3A_27 : i32
    %dma_wait3A_29 = arith.constant 0 : i32
    %dma_wait3A_30 = tpu.memref_slice %arg4[%add3A_28, %dma_wait3A_29] : memref<32768x1024xf32, #tpu.memory_space<hbm>> -> memref<32x1024xf32, #tpu.memory_space<hbm>>
    %dma_wait3A_31 = arith.constant 0 : i32
    %dma_wait3A_32 = tpu.memref_slice %arg4[%add3A_28, %dma_wait3A_31] : memref<32768x1024xf32, #tpu.memory_space<hbm>> -> memref<32x1024xf32, #tpu.memory_space<hbm>>
    tpu.wait_dma2 semaphore(%arg10 : memref<!tpu.dma_semaphore, #tpu.memory_space<semaphore_mem>>) src(%arg6 : memref<32x1024xf32, #tpu.memory_space<vmem>>) dst(%dma_wait3A_32 : memref<32x1024xf32, #tpu.memory_space<hbm>>)
    %dma_wait3A_33 = arith.constant 992 : i32
    %dma_wait3A_34 = tpu.memref_slice %arg5[%dma_wait3A_33] : memref<1024xi32, #tpu.memory_space<vmem>> -> memref<32xi32, #tpu.memory_space<vmem>>
    %dma_wait3A_35 = arith.constant 0 : i32
    %dma_wait3A_36 = arith.constant 0 : i32
    %dma_wait3A_37 = tpu.memref_slice %arg2[%dma_wait3A_35, %dma_wait3A_36] : memref<8192x1024xf32, #tpu.memory_space<hbm>> -> memref<8192x1024xf32, #tpu.memory_space<hbm>>
    tpu.wait_indirect_dma semaphore(%arg9 : memref<!tpu.dma_semaphore, #tpu.memory_space<semaphore_mem>>) src(%dma_wait3A_37 : memref<8192x1024xf32, #tpu.memory_space<hbm>>) dst(%arg7 : memref<32x1024xf32, #tpu.memory_space<vmem>>)
    %add3A_38 = arith.constant 992 : i32
    %add3A_39 = arith.addi %mul3A_2, %add3A_38 : i32
    %dma_start3A_40 = arith.constant 0 : i32
    %dma_start3A_41 = tpu.memref_slice %arg4[%add3A_39, %dma_start3A_40] : memref<32768x1024xf32, #tpu.memory_space<hbm>> -> memref<32x1024xf32, #tpu.memory_space<hbm>>
    %dma_start3A_42 = arith.constant 0 : i32
    %dma_start3A_43 = tpu.memref_slice %arg4[%add3A_39, %dma_start3A_42] : memref<32768x1024xf32, #tpu.memory_space<hbm>> -> memref<32x1024xf32, #tpu.memory_space<hbm>>
    tpu.enqueue_dma source(%arg7 : memref<32x1024xf32, #tpu.memory_space<vmem>>) target(%dma_start3A_43 : memref<32x1024xf32, #tpu.memory_space<hbm>>) target_semaphore(%arg11 : memref<!tpu.dma_semaphore, #tpu.memory_space<semaphore_mem>>)
    %add3A_44 = arith.constant 992 : i32
    %add3A_45 = arith.addi %mul3A_2, %add3A_44 : i32
    %dma_wait3A_46 = arith.constant 0 : i32
    %dma_wait3A_47 = tpu.memref_slice %arg4[%add3A_45, %dma_wait3A_46] : memref<32768x1024xf32, #tpu.memory_space<hbm>> -> memref<32x1024xf32, #tpu.memory_space<hbm>>
    %dma_wait3A_48 = arith.constant 0 : i32
    %dma_wait3A_49 = tpu.memref_slice %arg4[%add3A_45, %dma_wait3A_48] : memref<32768x1024xf32, #tpu.memory_space<hbm>> -> memref<32x1024xf32, #tpu.memory_space<hbm>>
    tpu.wait_dma2 semaphore(%arg11 : memref<!tpu.dma_semaphore, #tpu.memory_space<semaphore_mem>>) src(%arg7 : memref<32x1024xf32, #tpu.memory_space<vmem>>) dst(%dma_wait3A_49 : memref<32x1024xf32, #tpu.memory_space<hbm>>)
    return
  }
}

module attributes {stable_mosaic.version = 14 : i64} {
  func.func @_pe_body(%arg0: i32, %arg1: memref<512x1024xf32, #tpu.memory_space<vmem>>, %arg2: memref<512x1024xf32, #tpu.memory_space<vmem>>, %arg3: memref<512x1024xf32, #tpu.memory_space<vmem>>) attributes {dimension_semantics = [#tpu.dimension_semantics<arbitrary>], iteration_bounds = array<i64: 16>, scalar_prefetch = 0 : i64, scratch_operands = 2 : i64, tpu.core_type = #tpu.core_type<tc>, window_params = [{transform_indices = @transform_0, window_bounds = array<i64: 512, 1024>}]} {
    %eq3A = arith.constant 0 : i32
    %eq3A_0 = arith.cmpi eq, %arg0, %eq3A : i32
    %convert_element_type3A = arith.extui %eq3A_0 : i1 to i32
    %cond3A = arith.constant 0 : i32
    %cond3A_1 = arith.cmpi ne, %convert_element_type3A, %cond3A : i32
    scf.if %cond3A_1 {
      %iota3A_70 = tpu.iota {dimensions = array<i32: 0>} : vector<16x1024xi32>
      %convert_element_type3A_71 = arith.sitofp %iota3A_70 : vector<16x1024xi32> to vector<16x1024xf32>
      %mul3A_72 = arith.constant 3.200000e+01 : f32
      %mul3A_73 = vector.broadcast %mul3A_72 : f32 to vector<16x1024xf32>
      %mul3A_74 = arith.mulf %convert_element_type3A_71, %mul3A_73 : vector<16x1024xf32>
      %iota3A_75 = tpu.iota {dimensions = array<i32: 1>} : vector<16x1024xi32>
      %jit3A_76 = arith.constant 2 : i32
      %eq3A_77 = arith.constant 0 : i32
      %eq3A_78 = arith.cmpi eq, %jit3A_76, %eq3A_77 : i32
      %jit3A_79 = arith.constant 1 : i32
      %select_n3A_80 = arith.select %eq3A_78, %jit3A_79, %jit3A_76 : i32
      %rem3A_81 = vector.broadcast %select_n3A_80 : i32 to vector<16x1024xi32>
      %rem3A_82 = arith.remsi %iota3A_75, %rem3A_81 : vector<16x1024xi32>
      %ne3A_83 = arith.constant 0 : i32
      %ne3A_84 = vector.broadcast %ne3A_83 : i32 to vector<16x1024xi32>
      %ne3A_85 = arith.cmpi ne, %rem3A_82, %ne3A_84 : vector<16x1024xi32>
      %lt3A_86 = arith.constant 0 : i32
      %lt3A_87 = vector.broadcast %lt3A_86 : i32 to vector<16x1024xi32>
      %lt3A_88 = arith.cmpi slt, %rem3A_82, %lt3A_87 : vector<16x1024xi32>
      %lt3A_89 = arith.constant 0 : i32
      %lt3A_90 = arith.cmpi slt, %select_n3A_80, %lt3A_89 : i32
      %ne3A_91 = vector.broadcast %lt3A_90 : i1 to vector<16x1024xi1>
      %ne3A_92 = vector.broadcast %ne3A_91 : vector<16x1024xi1> to vector<16x1024xi1>
      %ne3A_93 = arith.xori %lt3A_88, %ne3A_92 : vector<16x1024xi1>
      %and3A_94 = arith.andi %ne3A_93, %ne3A_85 : vector<16x1024xi1>
      %add3A_95 = vector.broadcast %select_n3A_80 : i32 to vector<16x1024xi32>
      %add3A_96 = arith.addi %rem3A_82, %add3A_95 : vector<16x1024xi32>
      %select_n3A_97 = arith.select %and3A_94, %add3A_96, %rem3A_82 : vector<16x1024xi1>, vector<16x1024xi32>
      %sub3A_98 = arith.subi %iota3A_75, %select_n3A_97 : vector<16x1024xi32>
      %convert_element_type3A_99 = arith.sitofp %sub3A_98 : vector<16x1024xi32> to vector<16x1024xf32>
      %mul3A_100 = arith.constant -0.00899447314 : f32
      %mul3A_101 = vector.broadcast %mul3A_100 : f32 to vector<16x1024xf32>
      %mul3A_102 = arith.mulf %convert_element_type3A_99, %mul3A_101 : vector<16x1024xf32>
      %exp3A_103 = math.exp %mul3A_102 : vector<16x1024xf32>
      %mul3A_104 = arith.mulf %mul3A_74, %exp3A_103 : vector<16x1024xf32>
      %iota3A_105 = tpu.iota {dimensions = array<i32: 0>} : vector<32x1024xi32>
      %convert_element_type3A_106 = arith.sitofp %iota3A_105 : vector<32x1024xi32> to vector<32x1024xf32>
      %iota3A_107 = tpu.iota {dimensions = array<i32: 1>} : vector<32x1024xi32>
      %jit3A_108 = arith.constant 2 : i32
      %eq3A_109 = arith.constant 0 : i32
      %eq3A_110 = arith.cmpi eq, %jit3A_108, %eq3A_109 : i32
      %jit3A_111 = arith.constant 1 : i32
      %select_n3A_112 = arith.select %eq3A_110, %jit3A_111, %jit3A_108 : i32
      %rem3A_113 = vector.broadcast %select_n3A_112 : i32 to vector<32x1024xi32>
      %rem3A_114 = arith.remsi %iota3A_107, %rem3A_113 : vector<32x1024xi32>
      %ne3A_115 = arith.constant 0 : i32
      %ne3A_116 = vector.broadcast %ne3A_115 : i32 to vector<32x1024xi32>
      %ne3A_117 = arith.cmpi ne, %rem3A_114, %ne3A_116 : vector<32x1024xi32>
      %lt3A_118 = arith.constant 0 : i32
      %lt3A_119 = vector.broadcast %lt3A_118 : i32 to vector<32x1024xi32>
      %lt3A_120 = arith.cmpi slt, %rem3A_114, %lt3A_119 : vector<32x1024xi32>
      %lt3A_121 = arith.constant 0 : i32
      %lt3A_122 = arith.cmpi slt, %select_n3A_112, %lt3A_121 : i32
      %ne3A_123 = vector.broadcast %lt3A_122 : i1 to vector<32x1024xi1>
      %ne3A_124 = vector.broadcast %ne3A_123 : vector<32x1024xi1> to vector<32x1024xi1>
      %ne3A_125 = arith.xori %lt3A_120, %ne3A_124 : vector<32x1024xi1>
      %and3A_126 = arith.andi %ne3A_125, %ne3A_117 : vector<32x1024xi1>
      %add3A_127 = vector.broadcast %select_n3A_112 : i32 to vector<32x1024xi32>
      %add3A_128 = arith.addi %rem3A_114, %add3A_127 : vector<32x1024xi32>
      %select_n3A_129 = arith.select %and3A_126, %add3A_128, %rem3A_114 : vector<32x1024xi1>, vector<32x1024xi32>
      %sub3A_130 = arith.subi %iota3A_107, %select_n3A_129 : vector<32x1024xi32>
      %convert_element_type3A_131 = arith.sitofp %sub3A_130 : vector<32x1024xi32> to vector<32x1024xf32>
      %mul3A_132 = arith.constant -0.00899447314 : f32
      %mul3A_133 = vector.broadcast %mul3A_132 : f32 to vector<32x1024xf32>
      %mul3A_134 = arith.mulf %convert_element_type3A_131, %mul3A_133 : vector<32x1024xf32>
      %exp3A_135 = math.exp %mul3A_134 : vector<32x1024xf32>
      %mul3A_136 = arith.mulf %convert_element_type3A_106, %exp3A_135 : vector<32x1024xf32>
      %sin3A_137 = math.sin %mul3A_104 : vector<16x1024xf32>
      %add3A_138 = arith.constant 1.57079637 : f32
      %add3A_139 = vector.broadcast %add3A_138 : f32 to vector<16x1024xf32>
      %add3A_140 = arith.addf %mul3A_104, %add3A_139 : vector<16x1024xf32>
      %sin3A_141 = math.sin %add3A_140 : vector<16x1024xf32>
      %sin3A_142 = math.sin %mul3A_136 : vector<32x1024xf32>
      %add3A_143 = arith.constant 1.57079637 : f32
      %add3A_144 = vector.broadcast %add3A_143 : f32 to vector<32x1024xf32>
      %add3A_145 = arith.addf %mul3A_136, %add3A_144 : vector<32x1024xf32>
      %sin3A_146 = math.sin %add3A_145 : vector<32x1024xf32>
      %slice3A = vector.extract_strided_slice %sin3A_141 {offsets = [0, 0], sizes = [1, 1024], strides = [1, 1]} : vector<16x1024xf32> to vector<1x1024xf32>
      %slice3A_147 = vector.extract_strided_slice %sin3A_137 {offsets = [0, 0], sizes = [1, 1024], strides = [1, 1]} : vector<16x1024xf32> to vector<1x1024xf32>
      %mul3A_148 = vector.broadcast %slice3A : vector<1x1024xf32> to vector<32x1024xf32>
      %mul3A_149 = arith.mulf %mul3A_148, %sin3A_146 : vector<32x1024xf32>
      %mul3A_150 = vector.broadcast %slice3A_147 : vector<1x1024xf32> to vector<32x1024xf32>
      %mul3A_151 = arith.mulf %mul3A_150, %sin3A_142 : vector<32x1024xf32>
      %sub3A_152 = arith.subf %mul3A_149, %mul3A_151 : vector<32x1024xf32>
      %swap3A_153 = arith.constant 0 : index
      %swap3A_154 = arith.constant 0 : index
      %swap3A_155 = vector.load %arg2[%swap3A_153, %swap3A_154] : memref<512x1024xf32, #tpu.memory_space<vmem>>, vector<32x1024xf32>
      tpu.vector_store %arg2[%swap3A_153, %swap3A_154], %sub3A_152 {strides = array<i32>} : memref<512x1024xf32, #tpu.memory_space<vmem>>, vector<32x1024xf32>,
      %mul3A_156 = vector.broadcast %slice3A_147 : vector<1x1024xf32> to vector<32x1024xf32>
      %mul3A_157 = arith.mulf %mul3A_156, %sin3A_146 : vector<32x1024xf32>
      %mul3A_158 = vector.broadcast %slice3A : vector<1x1024xf32> to vector<32x1024xf32>
      %mul3A_159 = arith.mulf %mul3A_158, %sin3A_142 : vector<32x1024xf32>
      %add3A_160 = arith.addf %mul3A_157, %mul3A_159 : vector<32x1024xf32>
      %swap3A_161 = arith.constant 0 : index
      %swap3A_162 = arith.constant 0 : index
      %swap3A_163 = vector.load %arg3[%swap3A_161, %swap3A_162] : memref<512x1024xf32, #tpu.memory_space<vmem>>, vector<32x1024xf32>
      tpu.vector_store %arg3[%swap3A_161, %swap3A_162], %add3A_160 {strides = array<i32>} : memref<512x1024xf32, #tpu.memory_space<vmem>>, vector<32x1024xf32>,
      %slice3A_164 = vector.extract_strided_slice %sin3A_141 {offsets = [1, 0], sizes = [1, 1024], strides = [1, 1]} : vector<16x1024xf32> to vector<1x1024xf32>
      %slice3A_165 = vector.extract_strided_slice %sin3A_137 {offsets = [1, 0], sizes = [1, 1024], strides = [1, 1]} : vector<16x1024xf32> to vector<1x1024xf32>
      %mul3A_166 = vector.broadcast %slice3A_164 : vector<1x1024xf32> to vector<32x1024xf32>
      %mul3A_167 = arith.mulf %mul3A_166, %sin3A_146 : vector<32x1024xf32>
      %mul3A_168 = vector.broadcast %slice3A_165 : vector<1x1024xf32> to vector<32x1024xf32>
      %mul3A_169 = arith.mulf %mul3A_168, %sin3A_142 : vector<32x1024xf32>
      %sub3A_170 = arith.subf %mul3A_167, %mul3A_169 : vector<32x1024xf32>
      %swap3A_171 = arith.constant 32 : index
      %swap3A_172 = arith.constant 0 : index
      %swap3A_173 = vector.load %arg2[%swap3A_171, %swap3A_172] : memref<512x1024xf32, #tpu.memory_space<vmem>>, vector<32x1024xf32>
      tpu.vector_store %arg2[%swap3A_171, %swap3A_172], %sub3A_170 {strides = array<i32>} : memref<512x1024xf32, #tpu.memory_space<vmem>>, vector<32x1024xf32>,
      %mul3A_174 = vector.broadcast %slice3A_165 : vector<1x1024xf32> to vector<32x1024xf32>
      %mul3A_175 = arith.mulf %mul3A_174, %sin3A_146 : vector<32x1024xf32>
      %mul3A_176 = vector.broadcast %slice3A_164 : vector<1x1024xf32> to vector<32x1024xf32>
      %mul3A_177 = arith.mulf %mul3A_176, %sin3A_142 : vector<32x1024xf32>
      %add3A_178 = arith.addf %mul3A_175, %mul3A_177 : vector<32x1024xf32>
      %swap3A_179 = arith.constant 32 : index
      %swap3A_180 = arith.constant 0 : index
      %swap3A_181 = vector.load %arg3[%swap3A_179, %swap3A_180] : memref<512x1024xf32, #tpu.memory_space<vmem>>, vector<32x1024xf32>
      tpu.vector_store %arg3[%swap3A_179, %swap3A_180], %add3A_178 {strides = array<i32>} : memref<512x1024xf32, #tpu.memory_space<vmem>>, vector<32x1024xf32>,
      %slice3A_182 = vector.extract_strided_slice %sin3A_141 {offsets = [2, 0], sizes = [1, 1024], strides = [1, 1]} : vector<16x1024xf32> to vector<1x1024xf32>
      %slice3A_183 = vector.extract_strided_slice %sin3A_137 {offsets = [2, 0], sizes = [1, 1024], strides = [1, 1]} : vector<16x1024xf32> to vector<1x1024xf32>
      %mul3A_184 = vector.broadcast %slice3A_182 : vector<1x1024xf32> to vector<32x1024xf32>
      %mul3A_185 = arith.mulf %mul3A_184, %sin3A_146 : vector<32x1024xf32>
      %mul3A_186 = vector.broadcast %slice3A_183 : vector<1x1024xf32> to vector<32x1024xf32>
      %mul3A_187 = arith.mulf %mul3A_186, %sin3A_142 : vector<32x1024xf32>
      %sub3A_188 = arith.subf %mul3A_185, %mul3A_187 : vector<32x1024xf32>
      %swap3A_189 = arith.constant 64 : index
      %swap3A_190 = arith.constant 0 : index
      %swap3A_191 = vector.load %arg2[%swap3A_189, %swap3A_190] : memref<512x1024xf32, #tpu.memory_space<vmem>>, vector<32x1024xf32>
      tpu.vector_store %arg2[%swap3A_189, %swap3A_190], %sub3A_188 {strides = array<i32>} : memref<512x1024xf32, #tpu.memory_space<vmem>>, vector<32x1024xf32>,
      %mul3A_192 = vector.broadcast %slice3A_183 : vector<1x1024xf32> to vector<32x1024xf32>
      %mul3A_193 = arith.mulf %mul3A_192, %sin3A_146 : vector<32x1024xf32>
      %mul3A_194 = vector.broadcast %slice3A_182 : vector<1x1024xf32> to vector<32x1024xf32>
      %mul3A_195 = arith.mulf %mul3A_194, %sin3A_142 : vector<32x1024xf32>
      %add3A_196 = arith.addf %mul3A_193, %mul3A_195 : vector<32x1024xf32>
      %swap3A_197 = arith.constant 64 : index
      %swap3A_198 = arith.constant 0 : index
      %swap3A_199 = vector.load %arg3[%swap3A_197, %swap3A_198] : memref<512x1024xf32, #tpu.memory_space<vmem>>, vector<32x1024xf32>
      tpu.vector_store %arg3[%swap3A_197, %swap3A_198], %add3A_196 {strides = array<i32>} : memref<512x1024xf32, #tpu.memory_space<vmem>>, vector<32x1024xf32>,
      %slice3A_200 = vector.extract_strided_slice %sin3A_141 {offsets = [3, 0], sizes = [1, 1024], strides = [1, 1]} : vector<16x1024xf32> to vector<1x1024xf32>
      %slice3A_201 = vector.extract_strided_slice %sin3A_137 {offsets = [3, 0], sizes = [1, 1024], strides = [1, 1]} : vector<16x1024xf32> to vector<1x1024xf32>
      %mul3A_202 = vector.broadcast %slice3A_200 : vector<1x1024xf32> to vector<32x1024xf32>
      %mul3A_203 = arith.mulf %mul3A_202, %sin3A_146 : vector<32x1024xf32>
      %mul3A_204 = vector.broadcast %slice3A_201 : vector<1x1024xf32> to vector<32x1024xf32>
      %mul3A_205 = arith.mulf %mul3A_204, %sin3A_142 : vector<32x1024xf32>
      %sub3A_206 = arith.subf %mul3A_203, %mul3A_205 : vector<32x1024xf32>
      %swap3A_207 = arith.constant 96 : index
      %swap3A_208 = arith.constant 0 : index
      %swap3A_209 = vector.load %arg2[%swap3A_207, %swap3A_208] : memref<512x1024xf32, #tpu.memory_space<vmem>>, vector<32x1024xf32>
      tpu.vector_store %arg2[%swap3A_207, %swap3A_208], %sub3A_206 {strides = array<i32>} : memref<512x1024xf32, #tpu.memory_space<vmem>>, vector<32x1024xf32>,
      %mul3A_210 = vector.broadcast %slice3A_201 : vector<1x1024xf32> to vector<32x1024xf32>
      %mul3A_211 = arith.mulf %mul3A_210, %sin3A_146 : vector<32x1024xf32>
      %mul3A_212 = vector.broadcast %slice3A_200 : vector<1x1024xf32> to vector<32x1024xf32>
      %mul3A_213 = arith.mulf %mul3A_212, %sin3A_142 : vector<32x1024xf32>
      %add3A_214 = arith.addf %mul3A_211, %mul3A_213 : vector<32x1024xf32>
      %swap3A_215 = arith.constant 96 : index
      %swap3A_216 = arith.constant 0 : index
      %swap3A_217 = vector.load %arg3[%swap3A_215, %swap3A_216] : memref<512x1024xf32, #tpu.memory_space<vmem>>, vector<32x1024xf32>
      tpu.vector_store %arg3[%swap3A_215, %swap3A_216], %add3A_214 {strides = array<i32>} : memref<512x1024xf32, #tpu.memory_space<vmem>>, vector<32x1024xf32>,
      %slice3A_218 = vector.extract_strided_slice %sin3A_141 {offsets = [4, 0], sizes = [1, 1024], strides = [1, 1]} : vector<16x1024xf32> to vector<1x1024xf32>
      %slice3A_219 = vector.extract_strided_slice %sin3A_137 {offsets = [4, 0], sizes = [1, 1024], strides = [1, 1]} : vector<16x1024xf32> to vector<1x1024xf32>
      %mul3A_220 = vector.broadcast %slice3A_218 : vector<1x1024xf32> to vector<32x1024xf32>
      %mul3A_221 = arith.mulf %mul3A_220, %sin3A_146 : vector<32x1024xf32>
      %mul3A_222 = vector.broadcast %slice3A_219 : vector<1x1024xf32> to vector<32x1024xf32>
      %mul3A_223 = arith.mulf %mul3A_222, %sin3A_142 : vector<32x1024xf32>
      %sub3A_224 = arith.subf %mul3A_221, %mul3A_223 : vector<32x1024xf32>
      %swap3A_225 = arith.constant 128 : index
      %swap3A_226 = arith.constant 0 : index
      %swap3A_227 = vector.load %arg2[%swap3A_225, %swap3A_226] : memref<512x1024xf32, #tpu.memory_space<vmem>>, vector<32x1024xf32>
      tpu.vector_store %arg2[%swap3A_225, %swap3A_226], %sub3A_224 {strides = array<i32>} : memref<512x1024xf32, #tpu.memory_space<vmem>>, vector<32x1024xf32>,
      %mul3A_228 = vector.broadcast %slice3A_219 : vector<1x1024xf32> to vector<32x1024xf32>
      %mul3A_229 = arith.mulf %mul3A_228, %sin3A_146 : vector<32x1024xf32>
      %mul3A_230 = vector.broadcast %slice3A_218 : vector<1x1024xf32> to vector<32x1024xf32>
      %mul3A_231 = arith.mulf %mul3A_230, %sin3A_142 : vector<32x1024xf32>
      %add3A_232 = arith.addf %mul3A_229, %mul3A_231 : vector<32x1024xf32>
      %swap3A_233 = arith.constant 128 : index
      %swap3A_234 = arith.constant 0 : index
      %swap3A_235 = vector.load %arg3[%swap3A_233, %swap3A_234] : memref<512x1024xf32, #tpu.memory_space<vmem>>, vector<32x1024xf32>
      tpu.vector_store %arg3[%swap3A_233, %swap3A_234], %add3A_232 {strides = array<i32>} : memref<512x1024xf32, #tpu.memory_space<vmem>>, vector<32x1024xf32>,
      %slice3A_236 = vector.extract_strided_slice %sin3A_141 {offsets = [5, 0], sizes = [1, 1024], strides = [1, 1]} : vector<16x1024xf32> to vector<1x1024xf32>
      %slice3A_237 = vector.extract_strided_slice %sin3A_137 {offsets = [5, 0], sizes = [1, 1024], strides = [1, 1]} : vector<16x1024xf32> to vector<1x1024xf32>
      %mul3A_238 = vector.broadcast %slice3A_236 : vector<1x1024xf32> to vector<32x1024xf32>
      %mul3A_239 = arith.mulf %mul3A_238, %sin3A_146 : vector<32x1024xf32>
      %mul3A_240 = vector.broadcast %slice3A_237 : vector<1x1024xf32> to vector<32x1024xf32>
      %mul3A_241 = arith.mulf %mul3A_240, %sin3A_142 : vector<32x1024xf32>
      %sub3A_242 = arith.subf %mul3A_239, %mul3A_241 : vector<32x1024xf32>
      %swap3A_243 = arith.constant 160 : index
      %swap3A_244 = arith.constant 0 : index
      %swap3A_245 = vector.load %arg2[%swap3A_243, %swap3A_244] : memref<512x1024xf32, #tpu.memory_space<vmem>>, vector<32x1024xf32>
      tpu.vector_store %arg2[%swap3A_243, %swap3A_244], %sub3A_242 {strides = array<i32>} : memref<512x1024xf32, #tpu.memory_space<vmem>>, vector<32x1024xf32>,
      %mul3A_246 = vector.broadcast %slice3A_237 : vector<1x1024xf32> to vector<32x1024xf32>
      %mul3A_247 = arith.mulf %mul3A_246, %sin3A_146 : vector<32x1024xf32>
      %mul3A_248 = vector.broadcast %slice3A_236 : vector<1x1024xf32> to vector<32x1024xf32>
      %mul3A_249 = arith.mulf %mul3A_248, %sin3A_142 : vector<32x1024xf32>
      %add3A_250 = arith.addf %mul3A_247, %mul3A_249 : vector<32x1024xf32>
      %swap3A_251 = arith.constant 160 : index
      %swap3A_252 = arith.constant 0 : index
      %swap3A_253 = vector.load %arg3[%swap3A_251, %swap3A_252] : memref<512x1024xf32, #tpu.memory_space<vmem>>, vector<32x1024xf32>
      tpu.vector_store %arg3[%swap3A_251, %swap3A_252], %add3A_250 {strides = array<i32>} : memref<512x1024xf32, #tpu.memory_space<vmem>>, vector<32x1024xf32>,
      %slice3A_254 = vector.extract_strided_slice %sin3A_141 {offsets = [6, 0], sizes = [1, 1024], strides = [1, 1]} : vector<16x1024xf32> to vector<1x1024xf32>
      %slice3A_255 = vector.extract_strided_slice %sin3A_137 {offsets = [6, 0], sizes = [1, 1024], strides = [1, 1]} : vector<16x1024xf32> to vector<1x1024xf32>
      %mul3A_256 = vector.broadcast %slice3A_254 : vector<1x1024xf32> to vector<32x1024xf32>
      %mul3A_257 = arith.mulf %mul3A_256, %sin3A_146 : vector<32x1024xf32>
      %mul3A_258 = vector.broadcast %slice3A_255 : vector<1x1024xf32> to vector<32x1024xf32>
      %mul3A_259 = arith.mulf %mul3A_258, %sin3A_142 : vector<32x1024xf32>
      %sub3A_260 = arith.subf %mul3A_257, %mul3A_259 : vector<32x1024xf32>
      %swap3A_261 = arith.constant 192 : index
      %swap3A_262 = arith.constant 0 : index
      %swap3A_263 = vector.load %arg2[%swap3A_261, %swap3A_262] : memref<512x1024xf32, #tpu.memory_space<vmem>>, vector<32x1024xf32>
      tpu.vector_store %arg2[%swap3A_261, %swap3A_262], %sub3A_260 {strides = array<i32>} : memref<512x1024xf32, #tpu.memory_space<vmem>>, vector<32x1024xf32>,
      %mul3A_264 = vector.broadcast %slice3A_255 : vector<1x1024xf32> to vector<32x1024xf32>
      %mul3A_265 = arith.mulf %mul3A_264, %sin3A_146 : vector<32x1024xf32>
      %mul3A_266 = vector.broadcast %slice3A_254 : vector<1x1024xf32> to vector<32x1024xf32>
      %mul3A_267 = arith.mulf %mul3A_266, %sin3A_142 : vector<32x1024xf32>
      %add3A_268 = arith.addf %mul3A_265, %mul3A_267 : vector<32x1024xf32>
      %swap3A_269 = arith.constant 192 : index
      %swap3A_270 = arith.constant 0 : index
      %swap3A_271 = vector.load %arg3[%swap3A_269, %swap3A_270] : memref<512x1024xf32, #tpu.memory_space<vmem>>, vector<32x1024xf32>
      tpu.vector_store %arg3[%swap3A_269, %swap3A_270], %add3A_268 {strides = array<i32>} : memref<512x1024xf32, #tpu.memory_space<vmem>>, vector<32x1024xf32>,
      %slice3A_272 = vector.extract_strided_slice %sin3A_141 {offsets = [7, 0], sizes = [1, 1024], strides = [1, 1]} : vector<16x1024xf32> to vector<1x1024xf32>
      %slice3A_273 = vector.extract_strided_slice %sin3A_137 {offsets = [7, 0], sizes = [1, 1024], strides = [1, 1]} : vector<16x1024xf32> to vector<1x1024xf32>
      %mul3A_274 = vector.broadcast %slice3A_272 : vector<1x1024xf32> to vector<32x1024xf32>
      %mul3A_275 = arith.mulf %mul3A_274, %sin3A_146 : vector<32x1024xf32>
      %mul3A_276 = vector.broadcast %slice3A_273 : vector<1x1024xf32> to vector<32x1024xf32>
      %mul3A_277 = arith.mulf %mul3A_276, %sin3A_142 : vector<32x1024xf32>
      %sub3A_278 = arith.subf %mul3A_275, %mul3A_277 : vector<32x1024xf32>
      %swap3A_279 = arith.constant 224 : index
      %swap3A_280 = arith.constant 0 : index
      %swap3A_281 = vector.load %arg2[%swap3A_279, %swap3A_280] : memref<512x1024xf32, #tpu.memory_space<vmem>>, vector<32x1024xf32>
      tpu.vector_store %arg2[%swap3A_279, %swap3A_280], %sub3A_278 {strides = array<i32>} : memref<512x1024xf32, #tpu.memory_space<vmem>>, vector<32x1024xf32>,
      %mul3A_282 = vector.broadcast %slice3A_273 : vector<1x1024xf32> to vector<32x1024xf32>
      %mul3A_283 = arith.mulf %mul3A_282, %sin3A_146 : vector<32x1024xf32>
      %mul3A_284 = vector.broadcast %slice3A_272 : vector<1x1024xf32> to vector<32x1024xf32>
      %mul3A_285 = arith.mulf %mul3A_284, %sin3A_142 : vector<32x1024xf32>
      %add3A_286 = arith.addf %mul3A_283, %mul3A_285 : vector<32x1024xf32>
      %swap3A_287 = arith.constant 224 : index
      %swap3A_288 = arith.constant 0 : index
      %swap3A_289 = vector.load %arg3[%swap3A_287, %swap3A_288] : memref<512x1024xf32, #tpu.memory_space<vmem>>, vector<32x1024xf32>
      tpu.vector_store %arg3[%swap3A_287, %swap3A_288], %add3A_286 {strides = array<i32>} : memref<512x1024xf32, #tpu.memory_space<vmem>>, vector<32x1024xf32>,
      %slice3A_290 = vector.extract_strided_slice %sin3A_141 {offsets = [8, 0], sizes = [1, 1024], strides = [1, 1]} : vector<16x1024xf32> to vector<1x1024xf32>
      %slice3A_291 = vector.extract_strided_slice %sin3A_137 {offsets = [8, 0], sizes = [1, 1024], strides = [1, 1]} : vector<16x1024xf32> to vector<1x1024xf32>
      %mul3A_292 = vector.broadcast %slice3A_290 : vector<1x1024xf32> to vector<32x1024xf32>
      %mul3A_293 = arith.mulf %mul3A_292, %sin3A_146 : vector<32x1024xf32>
      %mul3A_294 = vector.broadcast %slice3A_291 : vector<1x1024xf32> to vector<32x1024xf32>
      %mul3A_295 = arith.mulf %mul3A_294, %sin3A_142 : vector<32x1024xf32>
      %sub3A_296 = arith.subf %mul3A_293, %mul3A_295 : vector<32x1024xf32>
      %swap3A_297 = arith.constant 256 : index
      %swap3A_298 = arith.constant 0 : index
      %swap3A_299 = vector.load %arg2[%swap3A_297, %swap3A_298] : memref<512x1024xf32, #tpu.memory_space<vmem>>, vector<32x1024xf32>
      tpu.vector_store %arg2[%swap3A_297, %swap3A_298], %sub3A_296 {strides = array<i32>} : memref<512x1024xf32, #tpu.memory_space<vmem>>, vector<32x1024xf32>,
      %mul3A_300 = vector.broadcast %slice3A_291 : vector<1x1024xf32> to vector<32x1024xf32>
      %mul3A_301 = arith.mulf %mul3A_300, %sin3A_146 : vector<32x1024xf32>
      %mul3A_302 = vector.broadcast %slice3A_290 : vector<1x1024xf32> to vector<32x1024xf32>
      %mul3A_303 = arith.mulf %mul3A_302, %sin3A_142 : vector<32x1024xf32>
      %add3A_304 = arith.addf %mul3A_301, %mul3A_303 : vector<32x1024xf32>
      %swap3A_305 = arith.constant 256 : index
      %swap3A_306 = arith.constant 0 : index
      %swap3A_307 = vector.load %arg3[%swap3A_305, %swap3A_306] : memref<512x1024xf32, #tpu.memory_space<vmem>>, vector<32x1024xf32>
      tpu.vector_store %arg3[%swap3A_305, %swap3A_306], %add3A_304 {strides = array<i32>} : memref<512x1024xf32, #tpu.memory_space<vmem>>, vector<32x1024xf32>,
      %slice3A_308 = vector.extract_strided_slice %sin3A_141 {offsets = [9, 0], sizes = [1, 1024], strides = [1, 1]} : vector<16x1024xf32> to vector<1x1024xf32>
      %slice3A_309 = vector.extract_strided_slice %sin3A_137 {offsets = [9, 0], sizes = [1, 1024], strides = [1, 1]} : vector<16x1024xf32> to vector<1x1024xf32>
      %mul3A_310 = vector.broadcast %slice3A_308 : vector<1x1024xf32> to vector<32x1024xf32>
      %mul3A_311 = arith.mulf %mul3A_310, %sin3A_146 : vector<32x1024xf32>
      %mul3A_312 = vector.broadcast %slice3A_309 : vector<1x1024xf32> to vector<32x1024xf32>
      %mul3A_313 = arith.mulf %mul3A_312, %sin3A_142 : vector<32x1024xf32>
      %sub3A_314 = arith.subf %mul3A_311, %mul3A_313 : vector<32x1024xf32>
      %swap3A_315 = arith.constant 288 : index
      %swap3A_316 = arith.constant 0 : index
      %swap3A_317 = vector.load %arg2[%swap3A_315, %swap3A_316] : memref<512x1024xf32, #tpu.memory_space<vmem>>, vector<32x1024xf32>
      tpu.vector_store %arg2[%swap3A_315, %swap3A_316], %sub3A_314 {strides = array<i32>} : memref<512x1024xf32, #tpu.memory_space<vmem>>, vector<32x1024xf32>,
      %mul3A_318 = vector.broadcast %slice3A_309 : vector<1x1024xf32> to vector<32x1024xf32>
      %mul3A_319 = arith.mulf %mul3A_318, %sin3A_146 : vector<32x1024xf32>
      %mul3A_320 = vector.broadcast %slice3A_308 : vector<1x1024xf32> to vector<32x1024xf32>
      %mul3A_321 = arith.mulf %mul3A_320, %sin3A_142 : vector<32x1024xf32>
      %add3A_322 = arith.addf %mul3A_319, %mul3A_321 : vector<32x1024xf32>
      %swap3A_323 = arith.constant 288 : index
      %swap3A_324 = arith.constant 0 : index
      %swap3A_325 = vector.load %arg3[%swap3A_323, %swap3A_324] : memref<512x1024xf32, #tpu.memory_space<vmem>>, vector<32x1024xf32>
      tpu.vector_store %arg3[%swap3A_323, %swap3A_324], %add3A_322 {strides = array<i32>} : memref<512x1024xf32, #tpu.memory_space<vmem>>, vector<32x1024xf32>,
      %slice3A_326 = vector.extract_strided_slice %sin3A_141 {offsets = [10, 0], sizes = [1, 1024], strides = [1, 1]} : vector<16x1024xf32> to vector<1x1024xf32>
      %slice3A_327 = vector.extract_strided_slice %sin3A_137 {offsets = [10, 0], sizes = [1, 1024], strides = [1, 1]} : vector<16x1024xf32> to vector<1x1024xf32>
      %mul3A_328 = vector.broadcast %slice3A_326 : vector<1x1024xf32> to vector<32x1024xf32>
      %mul3A_329 = arith.mulf %mul3A_328, %sin3A_146 : vector<32x1024xf32>
      %mul3A_330 = vector.broadcast %slice3A_327 : vector<1x1024xf32> to vector<32x1024xf32>
      %mul3A_331 = arith.mulf %mul3A_330, %sin3A_142 : vector<32x1024xf32>
      %sub3A_332 = arith.subf %mul3A_329, %mul3A_331 : vector<32x1024xf32>
      %swap3A_333 = arith.constant 320 : index
      %swap3A_334 = arith.constant 0 : index
      %swap3A_335 = vector.load %arg2[%swap3A_333, %swap3A_334] : memref<512x1024xf32, #tpu.memory_space<vmem>>, vector<32x1024xf32>
      tpu.vector_store %arg2[%swap3A_333, %swap3A_334], %sub3A_332 {strides = array<i32>} : memref<512x1024xf32, #tpu.memory_space<vmem>>, vector<32x1024xf32>,
      %mul3A_336 = vector.broadcast %slice3A_327 : vector<1x1024xf32> to vector<32x1024xf32>
      %mul3A_337 = arith.mulf %mul3A_336, %sin3A_146 : vector<32x1024xf32>
      %mul3A_338 = vector.broadcast %slice3A_326 : vector<1x1024xf32> to vector<32x1024xf32>
      %mul3A_339 = arith.mulf %mul3A_338, %sin3A_142 : vector<32x1024xf32>
      %add3A_340 = arith.addf %mul3A_337, %mul3A_339 : vector<32x1024xf32>
      %swap3A_341 = arith.constant 320 : index
      %swap3A_342 = arith.constant 0 : index
      %swap3A_343 = vector.load %arg3[%swap3A_341, %swap3A_342] : memref<512x1024xf32, #tpu.memory_space<vmem>>, vector<32x1024xf32>
      tpu.vector_store %arg3[%swap3A_341, %swap3A_342], %add3A_340 {strides = array<i32>} : memref<512x1024xf32, #tpu.memory_space<vmem>>, vector<32x1024xf32>,
      %slice3A_344 = vector.extract_strided_slice %sin3A_141 {offsets = [11, 0], sizes = [1, 1024], strides = [1, 1]} : vector<16x1024xf32> to vector<1x1024xf32>
      %slice3A_345 = vector.extract_strided_slice %sin3A_137 {offsets = [11, 0], sizes = [1, 1024], strides = [1, 1]} : vector<16x1024xf32> to vector<1x1024xf32>
      %mul3A_346 = vector.broadcast %slice3A_344 : vector<1x1024xf32> to vector<32x1024xf32>
      %mul3A_347 = arith.mulf %mul3A_346, %sin3A_146 : vector<32x1024xf32>
      %mul3A_348 = vector.broadcast %slice3A_345 : vector<1x1024xf32> to vector<32x1024xf32>
      %mul3A_349 = arith.mulf %mul3A_348, %sin3A_142 : vector<32x1024xf32>
      %sub3A_350 = arith.subf %mul3A_347, %mul3A_349 : vector<32x1024xf32>
      %swap3A_351 = arith.constant 352 : index
      %swap3A_352 = arith.constant 0 : index
      %swap3A_353 = vector.load %arg2[%swap3A_351, %swap3A_352] : memref<512x1024xf32, #tpu.memory_space<vmem>>, vector<32x1024xf32>
      tpu.vector_store %arg2[%swap3A_351, %swap3A_352], %sub3A_350 {strides = array<i32>} : memref<512x1024xf32, #tpu.memory_space<vmem>>, vector<32x1024xf32>,
      %mul3A_354 = vector.broadcast %slice3A_345 : vector<1x1024xf32> to vector<32x1024xf32>
      %mul3A_355 = arith.mulf %mul3A_354, %sin3A_146 : vector<32x1024xf32>
      %mul3A_356 = vector.broadcast %slice3A_344 : vector<1x1024xf32> to vector<32x1024xf32>
      %mul3A_357 = arith.mulf %mul3A_356, %sin3A_142 : vector<32x1024xf32>
      %add3A_358 = arith.addf %mul3A_355, %mul3A_357 : vector<32x1024xf32>
      %swap3A_359 = arith.constant 352 : index
      %swap3A_360 = arith.constant 0 : index
      %swap3A_361 = vector.load %arg3[%swap3A_359, %swap3A_360] : memref<512x1024xf32, #tpu.memory_space<vmem>>, vector<32x1024xf32>
      tpu.vector_store %arg3[%swap3A_359, %swap3A_360], %add3A_358 {strides = array<i32>} : memref<512x1024xf32, #tpu.memory_space<vmem>>, vector<32x1024xf32>,
      %slice3A_362 = vector.extract_strided_slice %sin3A_141 {offsets = [12, 0], sizes = [1, 1024], strides = [1, 1]} : vector<16x1024xf32> to vector<1x1024xf32>
      %slice3A_363 = vector.extract_strided_slice %sin3A_137 {offsets = [12, 0], sizes = [1, 1024], strides = [1, 1]} : vector<16x1024xf32> to vector<1x1024xf32>
      %mul3A_364 = vector.broadcast %slice3A_362 : vector<1x1024xf32> to vector<32x1024xf32>
      %mul3A_365 = arith.mulf %mul3A_364, %sin3A_146 : vector<32x1024xf32>
      %mul3A_366 = vector.broadcast %slice3A_363 : vector<1x1024xf32> to vector<32x1024xf32>
      %mul3A_367 = arith.mulf %mul3A_366, %sin3A_142 : vector<32x1024xf32>
      %sub3A_368 = arith.subf %mul3A_365, %mul3A_367 : vector<32x1024xf32>
      %swap3A_369 = arith.constant 384 : index
      %swap3A_370 = arith.constant 0 : index
      %swap3A_371 = vector.load %arg2[%swap3A_369, %swap3A_370] : memref<512x1024xf32, #tpu.memory_space<vmem>>, vector<32x1024xf32>
      tpu.vector_store %arg2[%swap3A_369, %swap3A_370], %sub3A_368 {strides = array<i32>} : memref<512x1024xf32, #tpu.memory_space<vmem>>, vector<32x1024xf32>,
      %mul3A_372 = vector.broadcast %slice3A_363 : vector<1x1024xf32> to vector<32x1024xf32>
      %mul3A_373 = arith.mulf %mul3A_372, %sin3A_146 : vector<32x1024xf32>
      %mul3A_374 = vector.broadcast %slice3A_362 : vector<1x1024xf32> to vector<32x1024xf32>
      %mul3A_375 = arith.mulf %mul3A_374, %sin3A_142 : vector<32x1024xf32>
      %add3A_376 = arith.addf %mul3A_373, %mul3A_375 : vector<32x1024xf32>
      %swap3A_377 = arith.constant 384 : index
      %swap3A_378 = arith.constant 0 : index
      %swap3A_379 = vector.load %arg3[%swap3A_377, %swap3A_378] : memref<512x1024xf32, #tpu.memory_space<vmem>>, vector<32x1024xf32>
      tpu.vector_store %arg3[%swap3A_377, %swap3A_378], %add3A_376 {strides = array<i32>} : memref<512x1024xf32, #tpu.memory_space<vmem>>, vector<32x1024xf32>,
      %slice3A_380 = vector.extract_strided_slice %sin3A_141 {offsets = [13, 0], sizes = [1, 1024], strides = [1, 1]} : vector<16x1024xf32> to vector<1x1024xf32>
      %slice3A_381 = vector.extract_strided_slice %sin3A_137 {offsets = [13, 0], sizes = [1, 1024], strides = [1, 1]} : vector<16x1024xf32> to vector<1x1024xf32>
      %mul3A_382 = vector.broadcast %slice3A_380 : vector<1x1024xf32> to vector<32x1024xf32>
      %mul3A_383 = arith.mulf %mul3A_382, %sin3A_146 : vector<32x1024xf32>
      %mul3A_384 = vector.broadcast %slice3A_381 : vector<1x1024xf32> to vector<32x1024xf32>
      %mul3A_385 = arith.mulf %mul3A_384, %sin3A_142 : vector<32x1024xf32>
      %sub3A_386 = arith.subf %mul3A_383, %mul3A_385 : vector<32x1024xf32>
      %swap3A_387 = arith.constant 416 : index
      %swap3A_388 = arith.constant 0 : index
      %swap3A_389 = vector.load %arg2[%swap3A_387, %swap3A_388] : memref<512x1024xf32, #tpu.memory_space<vmem>>, vector<32x1024xf32>
      tpu.vector_store %arg2[%swap3A_387, %swap3A_388], %sub3A_386 {strides = array<i32>} : memref<512x1024xf32, #tpu.memory_space<vmem>>, vector<32x1024xf32>,
      %mul3A_390 = vector.broadcast %slice3A_381 : vector<1x1024xf32> to vector<32x1024xf32>
      %mul3A_391 = arith.mulf %mul3A_390, %sin3A_146 : vector<32x1024xf32>
      %mul3A_392 = vector.broadcast %slice3A_380 : vector<1x1024xf32> to vector<32x1024xf32>
      %mul3A_393 = arith.mulf %mul3A_392, %sin3A_142 : vector<32x1024xf32>
      %add3A_394 = arith.addf %mul3A_391, %mul3A_393 : vector<32x1024xf32>
      %swap3A_395 = arith.constant 416 : index
      %swap3A_396 = arith.constant 0 : index
      %swap3A_397 = vector.load %arg3[%swap3A_395, %swap3A_396] : memref<512x1024xf32, #tpu.memory_space<vmem>>, vector<32x1024xf32>
      tpu.vector_store %arg3[%swap3A_395, %swap3A_396], %add3A_394 {strides = array<i32>} : memref<512x1024xf32, #tpu.memory_space<vmem>>, vector<32x1024xf32>,
      %slice3A_398 = vector.extract_strided_slice %sin3A_141 {offsets = [14, 0], sizes = [1, 1024], strides = [1, 1]} : vector<16x1024xf32> to vector<1x1024xf32>
      %slice3A_399 = vector.extract_strided_slice %sin3A_137 {offsets = [14, 0], sizes = [1, 1024], strides = [1, 1]} : vector<16x1024xf32> to vector<1x1024xf32>
      %mul3A_400 = vector.broadcast %slice3A_398 : vector<1x1024xf32> to vector<32x1024xf32>
      %mul3A_401 = arith.mulf %mul3A_400, %sin3A_146 : vector<32x1024xf32>
      %mul3A_402 = vector.broadcast %slice3A_399 : vector<1x1024xf32> to vector<32x1024xf32>
      %mul3A_403 = arith.mulf %mul3A_402, %sin3A_142 : vector<32x1024xf32>
      %sub3A_404 = arith.subf %mul3A_401, %mul3A_403 : vector<32x1024xf32>
      %swap3A_405 = arith.constant 448 : index
      %swap3A_406 = arith.constant 0 : index
      %swap3A_407 = vector.load %arg2[%swap3A_405, %swap3A_406] : memref<512x1024xf32, #tpu.memory_space<vmem>>, vector<32x1024xf32>
      tpu.vector_store %arg2[%swap3A_405, %swap3A_406], %sub3A_404 {strides = array<i32>} : memref<512x1024xf32, #tpu.memory_space<vmem>>, vector<32x1024xf32>,
      %mul3A_408 = vector.broadcast %slice3A_399 : vector<1x1024xf32> to vector<32x1024xf32>
      %mul3A_409 = arith.mulf %mul3A_408, %sin3A_146 : vector<32x1024xf32>
      %mul3A_410 = vector.broadcast %slice3A_398 : vector<1x1024xf32> to vector<32x1024xf32>
      %mul3A_411 = arith.mulf %mul3A_410, %sin3A_142 : vector<32x1024xf32>
      %add3A_412 = arith.addf %mul3A_409, %mul3A_411 : vector<32x1024xf32>
      %swap3A_413 = arith.constant 448 : index
      %swap3A_414 = arith.constant 0 : index
      %swap3A_415 = vector.load %arg3[%swap3A_413, %swap3A_414] : memref<512x1024xf32, #tpu.memory_space<vmem>>, vector<32x1024xf32>
      tpu.vector_store %arg3[%swap3A_413, %swap3A_414], %add3A_412 {strides = array<i32>} : memref<512x1024xf32, #tpu.memory_space<vmem>>, vector<32x1024xf32>,
      %slice3A_416 = vector.extract_strided_slice %sin3A_141 {offsets = [15, 0], sizes = [1, 1024], strides = [1, 1]} : vector<16x1024xf32> to vector<1x1024xf32>
      %slice3A_417 = vector.extract_strided_slice %sin3A_137 {offsets = [15, 0], sizes = [1, 1024], strides = [1, 1]} : vector<16x1024xf32> to vector<1x1024xf32>
      %mul3A_418 = vector.broadcast %slice3A_416 : vector<1x1024xf32> to vector<32x1024xf32>
      %mul3A_419 = arith.mulf %mul3A_418, %sin3A_146 : vector<32x1024xf32>
      %mul3A_420 = vector.broadcast %slice3A_417 : vector<1x1024xf32> to vector<32x1024xf32>
      %mul3A_421 = arith.mulf %mul3A_420, %sin3A_142 : vector<32x1024xf32>
      %sub3A_422 = arith.subf %mul3A_419, %mul3A_421 : vector<32x1024xf32>
      %swap3A_423 = arith.constant 480 : index
      %swap3A_424 = arith.constant 0 : index
      %swap3A_425 = vector.load %arg2[%swap3A_423, %swap3A_424] : memref<512x1024xf32, #tpu.memory_space<vmem>>, vector<32x1024xf32>
      tpu.vector_store %arg2[%swap3A_423, %swap3A_424], %sub3A_422 {strides = array<i32>} : memref<512x1024xf32, #tpu.memory_space<vmem>>, vector<32x1024xf32>,
      %mul3A_426 = vector.broadcast %slice3A_417 : vector<1x1024xf32> to vector<32x1024xf32>
      %mul3A_427 = arith.mulf %mul3A_426, %sin3A_146 : vector<32x1024xf32>
      %mul3A_428 = vector.broadcast %slice3A_416 : vector<1x1024xf32> to vector<32x1024xf32>
      %mul3A_429 = arith.mulf %mul3A_428, %sin3A_142 : vector<32x1024xf32>
      %add3A_430 = arith.addf %mul3A_427, %mul3A_429 : vector<32x1024xf32>
      %swap3A_431 = arith.constant 480 : index
      %swap3A_432 = arith.constant 0 : index
      %swap3A_433 = vector.load %arg3[%swap3A_431, %swap3A_432] : memref<512x1024xf32, #tpu.memory_space<vmem>>, vector<32x1024xf32>
      tpu.vector_store %arg3[%swap3A_431, %swap3A_432], %add3A_430 {strides = array<i32>} : memref<512x1024xf32, #tpu.memory_space<vmem>>, vector<32x1024xf32>,
    } else {
    }
    %iota3A = tpu.iota {dimensions = array<i32: 1>} : vector<1x1024xi32>
    %mul3A = arith.constant 512 : i32
    %mul3A_2 = arith.muli %arg0, %mul3A : i32
    %convert_element_type3A_3 = arith.sitofp %mul3A_2 : i32 to f32
    %jit3A = arith.constant 2 : i32
    %eq3A_4 = arith.constant 0 : i32
    %eq3A_5 = arith.cmpi eq, %jit3A, %eq3A_4 : i32
    %jit3A_6 = arith.constant 1 : i32
    %select_n3A = arith.select %eq3A_5, %jit3A_6, %jit3A : i32
    %rem3A = vector.broadcast %select_n3A : i32 to vector<1x1024xi32>
    %rem3A_7 = arith.remsi %iota3A, %rem3A : vector<1x1024xi32>
    %ne3A = arith.constant 0 : i32
    %ne3A_8 = vector.broadcast %ne3A : i32 to vector<1x1024xi32>
    %ne3A_9 = arith.cmpi ne, %rem3A_7, %ne3A_8 : vector<1x1024xi32>
    %lt3A = arith.constant 0 : i32
    %lt3A_10 = vector.broadcast %lt3A : i32 to vector<1x1024xi32>
    %lt3A_11 = arith.cmpi slt, %rem3A_7, %lt3A_10 : vector<1x1024xi32>
    %lt3A_12 = arith.constant 0 : i32
    %lt3A_13 = arith.cmpi slt, %select_n3A, %lt3A_12 : i32
    %ne3A_14 = vector.broadcast %lt3A_13 : i1 to vector<1x1024xi1>
    %ne3A_15 = vector.broadcast %ne3A_14 : vector<1x1024xi1> to vector<1x1024xi1>
    %ne3A_16 = arith.xori %lt3A_11, %ne3A_15 : vector<1x1024xi1>
    %and3A = arith.andi %ne3A_16, %ne3A_9 : vector<1x1024xi1>
    %add3A = vector.broadcast %select_n3A : i32 to vector<1x1024xi32>
    %add3A_17 = arith.addi %rem3A_7, %add3A : vector<1x1024xi32>
    %select_n3A_18 = arith.select %and3A, %add3A_17, %rem3A_7 : vector<1x1024xi1>, vector<1x1024xi32>
    %sub3A = arith.subi %iota3A, %select_n3A_18 : vector<1x1024xi32>
    %convert_element_type3A_19 = arith.sitofp %sub3A : vector<1x1024xi32> to vector<1x1024xf32>
    %mul3A_20 = arith.constant -0.00899447314 : f32
    %mul3A_21 = vector.broadcast %mul3A_20 : f32 to vector<1x1024xf32>
    %mul3A_22 = arith.mulf %convert_element_type3A_19, %mul3A_21 : vector<1x1024xf32>
    %exp3A = math.exp %mul3A_22 : vector<1x1024xf32>
    %mul3A_23 = vector.broadcast %convert_element_type3A_3 : f32 to vector<1x1024xf32>
    %mul3A_24 = arith.mulf %mul3A_23, %exp3A : vector<1x1024xf32>
    %sin3A = math.sin %mul3A_24 : vector<1x1024xf32>
    %add3A_25 = arith.constant 1.57079637 : f32
    %add3A_26 = vector.broadcast %add3A_25 : f32 to vector<1x1024xf32>
    %add3A_27 = arith.addf %mul3A_24, %add3A_26 : vector<1x1024xf32>
    %sin3A_28 = math.sin %add3A_27 : vector<1x1024xf32>
    %jit3A_29 = arith.constant 2 : i32
    %eq3A_30 = arith.constant 0 : i32
    %eq3A_31 = arith.cmpi eq, %jit3A_29, %eq3A_30 : i32
    %jit3A_32 = arith.constant 1 : i32
    %select_n3A_33 = arith.select %eq3A_31, %jit3A_32, %jit3A_29 : i32
    %rem3A_34 = vector.broadcast %select_n3A_33 : i32 to vector<1x1024xi32>
    %rem3A_35 = arith.remsi %iota3A, %rem3A_34 : vector<1x1024xi32>
    %ne3A_36 = arith.constant 0 : i32
    %ne3A_37 = vector.broadcast %ne3A_36 : i32 to vector<1x1024xi32>
    %ne3A_38 = arith.cmpi ne, %rem3A_35, %ne3A_37 : vector<1x1024xi32>
    %lt3A_39 = arith.constant 0 : i32
    %lt3A_40 = vector.broadcast %lt3A_39 : i32 to vector<1x1024xi32>
    %lt3A_41 = arith.cmpi slt, %rem3A_35, %lt3A_40 : vector<1x1024xi32>
    %lt3A_42 = arith.constant 0 : i32
    %lt3A_43 = arith.cmpi slt, %select_n3A_33, %lt3A_42 : i32
    %ne3A_44 = vector.broadcast %lt3A_43 : i1 to vector<1x1024xi1>
    %ne3A_45 = vector.broadcast %ne3A_44 : vector<1x1024xi1> to vector<1x1024xi1>
    %ne3A_46 = arith.xori %lt3A_41, %ne3A_45 : vector<1x1024xi1>
    %and3A_47 = arith.andi %ne3A_46, %ne3A_38 : vector<1x1024xi1>
    %add3A_48 = vector.broadcast %select_n3A_33 : i32 to vector<1x1024xi32>
    %add3A_49 = arith.addi %rem3A_35, %add3A_48 : vector<1x1024xi32>
    %select_n3A_50 = arith.select %and3A_47, %add3A_49, %rem3A_35 : vector<1x1024xi1>, vector<1x1024xi32>
    %eq3A_51 = arith.constant 0 : i32
    %eq3A_52 = vector.broadcast %eq3A_51 : i32 to vector<1x1024xi32>
    %eq3A_53 = arith.cmpi eq, %select_n3A_50, %eq3A_52 : vector<1x1024xi32>
    %select_n3A_54 = arith.select %eq3A_53, %sin3A, %sin3A_28 : vector<1x1024xi1>, vector<1x1024xf32>
    %neg3A = arith.constant 0.000000e+00 : f32
    %neg3A_55 = vector.broadcast %neg3A : f32 to vector<1x1024xf32>
    %neg3A_56 = arith.subf %neg3A_55, %sin3A : vector<1x1024xf32>
    %select_n3A_57 = arith.select %eq3A_53, %sin3A_28, %neg3A_56 : vector<1x1024xi1>, vector<1x1024xf32>
    %get3A = arith.constant 0 : index
    %get3A_58 = arith.constant 0 : index
    %get3A_59 = vector.load %arg2[%get3A, %get3A_58] : memref<512x1024xf32, #tpu.memory_space<vmem>>, vector<512x1024xf32>
    %mul3A_60 = vector.broadcast %select_n3A_54 : vector<1x1024xf32> to vector<512x1024xf32>
    %mul3A_61 = arith.mulf %mul3A_60, %get3A_59 : vector<512x1024xf32>
    %get3A_62 = arith.constant 0 : index
    %get3A_63 = arith.constant 0 : index
    %get3A_64 = vector.load %arg3[%get3A_62, %get3A_63] : memref<512x1024xf32, #tpu.memory_space<vmem>>, vector<512x1024xf32>
    %mul3A_65 = vector.broadcast %select_n3A_57 : vector<1x1024xf32> to vector<512x1024xf32>
    %mul3A_66 = arith.mulf %mul3A_65, %get3A_64 : vector<512x1024xf32>
    %add3A_67 = arith.addf %mul3A_61, %mul3A_66 : vector<512x1024xf32>
    %swap3A = arith.constant 0 : index
    %swap3A_68 = arith.constant 0 : index
    %swap3A_69 = vector.load %arg1[%swap3A, %swap3A_68] : memref<512x1024xf32, #tpu.memory_space<vmem>>, vector<512x1024xf32>
    tpu.vector_store %arg1[%swap3A, %swap3A_68], %add3A_67 {strides = array<i32>} : memref<512x1024xf32, #tpu.memory_space<vmem>>, vector<512x1024xf32>,
    return
  }
  func.func @transform_0(%arg0: i32) -> (i32, i32) {
    %c0_i32 = arith.constant 0 : i32
    %c0_i32_0 = arith.constant 0 : i32
    return %arg0, %c0_i32 : i32, i32
  }
}

</mosaic_0001>

<sc_bundles>
// kernel: kernel.4.cloned.1.call-start
scs
__scs_entry_jumppad:
0x0: {  	(pc) =	sbr.rel $0x88, $3  }
0x1: {  	(tag) =	ssettag $0x0;
	lr =	simm.s32 $0x1  }
0x2: {  	[smem:$0x3FA0] =	sst lr;
	_ =	strace $0xD0000000  }
0x3: {  	_ = 	snop  }
0x4: {  	_ = 	snop  }
0x5: {  	_ = 	snop  }
0x6: {  	_ = 	snop  }
0x7: {  	_ = 	snop  }
__scs_overlays_trampoline_lowered:
0x8: {  	[smem:$0x3FAF] =	sst s0  }
0x9: {  	[smem:$0x3FB0] =	sst s1  }
0xa: {  	[smem:$0x3FB1] =	sst s2  }
0xb: {  	[smem:$0x3FB2] =	sst s3  }
0xc: {  	[smem:$0x3FB3] =	sst s4  }
0xd: {  	[smem:$0x3FB4] =	sst s5  }
0xe: {  	[smem:$0x3FB5] =	sst s6  }
0xf: {  	[smem:$0x3FB6] =	sst s7  }
0x10: {  	[smem:$0x3FB7] =	sst s8  }
0x11: {  	[smem:$0x3FB8] =	sst s9;
	s0 =	simm.s32 @!p0 $0x0  }
0x12: {  	s1 =	sld [smem:$0x3F9E];
	s0 =	simm.s32 @p0 $0x1  }
0x13: {  	[smem:$0x3FB9] =	sst s0;
	s0 =	simm.s32 @!p1 $0x0  }
0x14: {  	s2 =	sld [smem:$0x3F9D];
	s0 =	simm.s32 @p1 $0x1  }
0x15: {  	[smem:$0x3FBA] =	sst s0;
	s0 =	simm.s32 @!p2 $0x0  }
0x16: {  	s3 =	sld [smem:$0x3FDB];
	s0 =	simm.s32 @p2 $0x1  }
0x17: {  	s4 =	simm.s32 $0x1BF5;
	[smem:$0x3FBC] =	sst s0  }
0x18: {  	s0 =	sld [smem:$0x3F9F];
	_ =	swait.ge [sflag:s4], $0x0  }
0x19: {  	s7 =	sld [smem:$0x3FA0]  }
0x1a: {  	s8 =	sadd.s32 $0xFFFFE003, lr  }
0x1b: {  	s9 =	sadd.s32 $0xFFFFFEF7, lr;
	s5 =	simm.s32 $0xFFFFFFFF;
	p2 =	slt.u32 s8, $0xFFFFF086  }
0x1c: {  	p1 =	slt.u32 s9, $0xF7A;
	s5 =	simm.s32 @!p2 $0x0  }
0x1d: {  	s5 =	simm.s32 @p1 $0x1;
	p0 =	seq.s32 s7, s2  }
0x1e: {  	s7 =	smul.u32 @!p0 $0xF7A, s2;
	p2 =	seq.s32 @!p0 s5, $0x0  }
0x1f: {  	s9 =	smul.u32 $0xF7A, s1;
	s8 =	simm.s32 @!p0 $0x1BF5;
	p2 =	por !p2, p0  }
0x20: {  	[sflag:s8] =	ssyncset.s32 @!p0 $0xFFFFF086;
	s6 =	sadd.s32 @!p0 s3, s7;
	s7 =	simm.s32 @!p0 $0x108  }
0x21: {  	s3 =	sadd.s32 s3, s9;
	s6 =	sadd.s32 @!p0 $0x88, s6;
	s7 =	simm.s32 @p2 $0x1082  }
0x22: {  	[simem:s7], [sflag:s8] =	dma.local @!p0 [hbm:s6], $0xF7A  }
0x23: {  	s9 =	sor.u32 $0xD0000000, s2;
	s6 =	simm.s32 $0x108;
	_ =	swait.ge @!p0 [sflag:s8], $0x0  }
0x24: {  	s3 =	sadd.s32 $0x88, s3;
	s6 =	simm.s32 @!p1 $0x1082;
	[sflag:s4] =	ssyncset.s32 $0xFFFFF086  }
0x25: {  	[simem:s6], [sflag:s4] =	dma.local [hbm:s3], $0xF7A  }
0x26: {  	[smem:$0x3FA0] =	sst s1;
	(tag) =	ssettag s2;
	_ =	strace s9  }
0x27: {  	s1 =	sld [smem:$0x3FB0]  }
0x28: {  	s2 =	sld [smem:$0x3FB1]  }
0x29: {  	s4 =	sld [smem:$0x3FB3]  }
0x2a: {  	p0 =	seq.s32 s5, $0x0;
	s5 =	sld [smem:$0x3FB4]  }
0x2b: {  	s6 =	sld [smem:$0x3FB5]  }
0x2c: {  	s7 =	sld [smem:$0x3FB6]  }
0x2d: {  	s3 =	simm.s32 $0x108;
	s8 =	sld [smem:$0x3FB7]  }
0x2e: {  	s3 =	simm.s32 @!p0 $0x1082;
	s9 =	sld [smem:$0x3FB8]  }
0x2f: {  	lr =	sadd.s32 s0, s3;
	s0 =	sld [smem:$0x3FAF]  }
0x30: {  	s3 =	sld [smem:$0x3FB2]  }
0x31: {  	[smem:$0x3FBB] =	sst s10  }
0x32: {  	s10 =	sld [smem:$0x3FB9];
	_ =	sdelay $0x3  }
0x33: {  	p0 =	seq.s32 s10, $0x1;
	s10 =	sld [smem:$0x3FBB];
	_ =	sdelay $0x3  }
0x34: {  	[smem:$0x3FBB] =	sst s10  }
0x35: {  	s10 =	sld [smem:$0x3FBA];
	_ =	sdelay $0x3  }
0x36: {  	p1 =	seq.s32 s10, $0x1;
	s10 =	sld [smem:$0x3FBB];
	_ =	sdelay $0x3  }
0x37: {  	[smem:$0x3FBB] =	sst s10  }
0x38: {  	s10 =	sld [smem:$0x3FBC]  }
0x39: {  	_ = 	snop;
	(pc) =	sbr.ind lr, $3  }
0x3a: {  	_ = 	snop  }
0x3b: {  	_ = 	snop  }
0x3c: {  	p2 =	seq.s32 s10, $0x1;
	s10 =	sld [smem:$0x3FBB]  }
0x3d: {  	_ =	shalt  }
0x3e: {  	_ =	shalt  }
0x3f: {  	_ =	shalt  }
0x40: {  	_ =	shalt  }
0x41: {  	_ =	shalt  }
0x42: {  	_ =	shalt  }
0x43: {  	_ =	shalt  }
0x44: {  	_ =	shalt  }
0x45: {  	_ =	shalt  }
0x46: {  	_ =	shalt  }
0x47: {  	_ =	shalt  }
0x48: {  	_ =	shalt  }
0x49: {  	_ =	shalt  }
0x4a: {  	_ =	shalt  }
0x4b: {  	_ =	shalt  }
0x4c: {  	_ =	shalt  }
0x4d: {  	_ =	shalt  }
0x4e: {  	_ =	shalt  }
0x4f: {  	_ =	shalt  }
0x50: {  	_ =	shalt  }
0x51: {  	_ =	shalt  }
0x52: {  	_ =	shalt  }
0x53: {  	_ =	shalt  }
0x54: {  	_ =	shalt  }
0x55: {  	_ =	shalt  }
0x56: {  	_ =	shalt  }
0x57: {  	_ =	shalt  }
0x58: {  	_ =	shalt  }
0x59: {  	_ =	shalt  }
0x5a: {  	_ =	shalt  }
0x5b: {  	_ =	shalt  }
0x5c: {  	_ =	shalt  }
0x5d: {  	_ =	shalt  }
0x5e: {  	_ =	shalt  }
0x5f: {  	_ =	shalt  }
0x60: {  	_ =	shalt  }
0x61: {  	_ =	shalt  }
0x62: {  	_ =	shalt  }
0x63: {  	_ =	shalt  }
0x64: {  	_ =	shalt  }
0x65: {  	_ =	shalt  }
0x66: {  	_ =	shalt  }
0x67: {  	_ =	shalt  }
0x68: {  	_ =	shalt  }
0x69: {  	_ =	shalt  }
0x6a: {  	_ =	shalt  }
0x6b: {  	_ =	shalt  }
0x6c: {  	_ =	shalt  }
0x6d: {  	_ =	shalt  }
0x6e: {  	_ =	shalt  }
0x6f: {  	_ =	shalt  }
0x70: {  	_ =	shalt  }
0x71: {  	_ =	shalt  }
0x72: {  	_ =	shalt  }
0x73: {  	_ =	shalt  }
0x74: {  	_ =	shalt  }
0x75: {  	_ =	shalt  }
0x76: {  	_ =	shalt  }
0x77: {  	_ =	shalt  }
0x78: {  	_ =	shalt  }
0x79: {  	_ =	shalt  }
0x7a: {  	_ =	shalt  }
0x7b: {  	_ =	shalt  }
0x7c: {  	_ =	shalt  }
0x7d: {  	_ =	shalt  }
0x7e: {  	_ =	shalt  }
0x7f: {  	_ =	shalt  }
0x80: {  	_ =	shalt  }
0x81: {  	_ =	shalt  }
0x82: {  	_ =	shalt  }
0x83: {  	_ =	shalt  }
0x84: {  	_ =	shalt  }
0x85: {  	_ =	shalt  }
0x86: {  	_ =	shalt  }
0x87: {  	_ =	shalt  }
.Lfunc_end0:
.L_simem_size_0:
called_computation_lowered:
.L_overlay_start_0:
0x88: {  	s2 =	sld [smem:$0x3FD9]  }
0x89: {  	s3 =	sld [smem:$0x3FFE];
	_ =	sdelay $0x1  }
0x8a: {  	s1 =	srdreg.scid  }
0x8b: {  	s0 =	sand.u32 $0x1, s1  }
0x8c: {  	s17 =	sshll.u32 s0, $0xA;
	s2 =	sadd.s32 s3, s2  }
0x8d: {  	s2 =	sadd.s32 s2, s17  }
0x8e: {  	[smem:$0x3FC7] =	sst s2  }
0x8f: {  	_ = 	snop  }
0x90: {  	s2 =	sld [smem:$0x3FD0];
	(tm) =	ssettm $0x1  }
0x91: {  	s18 =	sld [smem:$0x3FFB];
	_ =	sdelay $0x3  }
0x92: {  	_ =	strace s18  }
0x93: {  	s3 =	sld [smem:$0x3FFC];
	_ =	sdelay $0x3  }
0x94: {  	_ =	strace s3  }
0x95: {  	s3 =	sld [smem:$0x3FFD];
	_ =	sdelay $0x3  }
0x96: {  	_ =	strace s3  }
0x97: {  	_ =	strace $0x8FFFFFFF  }
0x98: {  	s19 =	sld [smem:$0x3FDB];
	_ =	sdelay $0x1  }
0x99: {  	s4 =	simm.s32 $_scs_section_size  }
0x9a: {  	s5 =	simm.s32 $_size__tile_overlayer_lowered;
	s6 =	simm.s32 $_tile_overlayer_lowered  }
0x9b: {  	s22 =	simm.s32 $0x1BFF;
	s21 =	sshll.u32 s6, $0x1;
	s3 =	sadd.s32 s4, s19  }
0x9c: {  	s7 =	simm.s32 $0x0;
	s20 =	sshll.u32 s5, $0x1;
	s5 =	sadd.s32 s21, s3  }
0x9d: {  	[timem:s7], [sflag:s22] =	dma.local [hbm:s5], s20  }
0x9e: {  	_ =	swait.ge [sflag:s22], s20  }
0x9f: {  	s4 =	ssub.s32 $0x0, s20;
	[sflag:s22] =	ssyncset.done $0x0  }
0xa0: {  	[sflag:s22] =	ssyncadd.s32 s4;
	_ =	sdelay $0x1  }
0xa1: {  	s23 =	simm.s32 $0x1B8B  }
0xa2: {  	_ =	swait.ge [sflag:s23], $0x1  }
0xa3: {  	[sflag:s23] =	ssyncset.done $0x0  }
0xa4: {  	s25 =	simm.s32 $0x1B8E;
	s24 =	sld [smem:$0x3FFE];
	[sflag:s23] =	ssyncadd.s32 $0xFFFFFFFF  }
0xa5: {  	s26 =	simm.s32 $execute0_lowered;
	[smem:$0x3FD2] =	sst s25  }
0xa6: {  	s5 =	sshll.u32 s26, $0x1;
	_ =	strace $0x80000046;
	[dreg:$0x1] =	wrdreg $0xFFFFFFFF  }
0xa7: {  	s28 =	simm.s32 $_size_execute0_lowered;
	s3 =	sadd.s32 s3, s5;
	[dreg:$0x0] =	wrdreg $0x0  }
0xa8: {  	s5 =	sshll.u32 s28, $0x1;
	[dreg:$0x2] =	wrdreg s3  }
0xa9: {  	[dreg:$0x3] =	wrdreg s5  }
0xaa: {  	[dreg:$0x4] =	wrdreg $0xC0  }
0xab: {  	_ =	task [dreg:s7], $0x5FFFF  }
0xac: {  	[dreg:$0x1] =	wrdreg $0xFFFFFFFF  }
0xad: {  	[dreg:$0x0] =	wrdreg $0x60  }
0xae: {  	[dreg:$0x2] =	wrdreg s24  }
0xaf: {  	[dreg:$0x3] =	wrdreg s2  }
0xb0: {  	[dreg:$0x4] =	wrdreg $0x9  }
0xb1: {  	_ =	task.clear_ibuf [dreg:s7], $0x5FFFF;
	_ =	strace $0x90000046  }
0xb2: {  	s29 =	simm.s32 $0x9;
	_ =	strace $0x80000048  }
0xb3: {  	_ =	swait.ge [sflag:s29], $0x1  }
0xb4: {  	[sflag:s29] =	ssyncadd.s32 $0xFFFFFFFF  }
0xb5: {  	_ =	strace $0x90000048  }
0xb6: {  	_ =	sfence  }
0xb7: {  	s30 =	sld [smem:$0x0];
	_ =	sdelay $0x2  }
0xb8: {  	s31 =	sshll.u32 s1, $0xD;
	s1 =	sshrl.u32 s1, $0x2  }
0xb9: {  	s3 =	sand.u32 $0x4000, s31;
	s1 =	sadd.s32 s1, s30  }
0xba: {  	s0 =	sor.u32 s3, s0;
	s1 =	sshll.u32 s1, $0x11  }
0xbb: {  	s0 =	sor.u32 s1, s0  }
0xbc: {  	s0 =	sadd.s32 $0x8F2B, s0  }
0xbd: {  	[sflag:s0] =	ssyncadd.remote.s32 $0x1  }
0xbe: {  	_ =	sfence.sel $0xFFFF  }
0xbf: {  	[dreg:$0x0] =	wrdreg $0xFFFFFFFF;
	(pc) =	sbr.abs _section_cstart, $3  }
0xc0: {  	[dreg:$0x1] =	wrdreg $0xFFFFFFFF  }
0xc1: {  	_ =	task.clear_ibuf [dreg:s7], $0x2FFFF;
	_ =	strace $0x9FFFFFFF  }
0xc2: {  	(tm) =	ssettm $0x7FFFFFFF  }
0xc3: {  	_ =	shalt  }
tec
execute0_lowered:
.L_overlay_start_1:
0x0: {  	(tag) =	ssettag $0x1  }
0x1: {  	s0 =	rddreg [dreg:$0x0]  }
0x2: {  	s1 =	rddreg [dreg:$0x1]  }
0x3: {  	s2 =	srdreg.scid;
	s10 =	stileid.u32  }
0x4: {  	s31 =	simm.s32 $0x400;
	s28 =	simm.s32 $0x2400;
	s30 =	simm.s32 $0x2C00  }
0x5: {  	s29 =	simm.s32 $0x3400;
	s11 =	simm.s32 $0x6400;
	s13 =	simm.s32 $0x6C00  }
0x6: {  	s14 =	simm.s32 $0x7400;
	s15 =	simm.s32 $0x7C00;
	s16 =	simm.s32 $0x8C00  }
0x7: {  	s17 =	simm.s32 $0x9400;
	s12 =	simm.s32 $0xA400;
	s4 =	sand.u32 $0x1, s2  }
0x8: {  	s2 =	simm.s32 $0x0;
	s3 =	sshll.u32 s10, $0xB;
	s21 =	sshll.u32 s10, $0x12  }
0x9: {  	s10 =	simm.s32 $0x5400;
	s5 =	sshll.u32 s4, $0xA;
	[smem:$0x7FF] =	sst s2  }
0xa: {  	s18 =	ssub.s32 $0x2, s4;
	s23 =	sadd.s32 s21, s1;
	s24 =	sshll.u32 s4, $0x11  }
0xb: {  	s4 =	simm.s32 $0x4400;
	s21 =	simm.s32 $0x2;
	s8 =	sor.u32 s5, s3  }
0xc: {  	_ =	strace $0x80000047;
	s7 =	sshrl.u32 s18, $0x1;
	s3 =	sadd.s32 $0x400, s0  }
0xd: {  	s5 =	sadd.s32 $0x500, s0;
	s6 =	sshrl.u32 s8, $0x3;
	s9 =	ssub.s32 s18, s7  }
0xe: {  	s7 =	sadd.s32 $0x700, s0;
	s20 =	sshll.u32 s8, $0x7;
	s8 =	simm.s32 $0x5C00  }
0xf: {  	s18 =	simm.s32 $0x9C00;
	s6 =	sadd.s32 s6, s0;
	s22 =	sadd.s32 s1, s20  }
0x10: {  	s26 =	smax.u32 s9, $0x1;
	s1 =	simm.s32 $0x3C00;
	s9 =	simm.s32 $0x4C00  }
0x11: {  	s20 =	simm.s32 $0x3;
	s19 =	sadd.s32 $0x100400, s6;
	[dreg:$0x5] =	wrdreg s22  }
0x12: {  	s6 =	sadd.s32 $0x600, s0;
	s25 =	sadd.s32 $0x1F000, s22;
	[dreg:$0x7] =	wrdreg s26  }
0x13: {  	s0 =	sadd.s32 s24, s23;
	s26 =	simm.s32 $0x1400;
	[dreg:$0x4] =	wrdreg s19  }
0x14: {  	v2 =	vlaneseq.u32;
	s24 =	simm.s32 $0x1C00;
	s22 =	simm.s32 $0x4;
	[dreg:$0x6] =	wrdreg s25  }
0x15: {  	vm0 =	vmmov $0xffff;
	v1 =	vshrl.u32 v2, $0x3;
	s23 =	simm.s32 $0x0;
	[dreg:$0x3] =	wrdreg s0;
	s25 =	simm.s32 $0xC00  }
0x16: {  	v0 =	vand.u32 $0x7, v2;
	v2 =	vor.u32 $0x8, v2;
	v1 =	vmul.u32 $0x8, v1;
	s0 =	simm.s32 $0x8400;
	s19 =	simm.s32 $0x1;
	[dreg:$0x8] =	wrdreg s23  }
.LBB2_1:
0x17: {  	s23 =	rddreg [dreg:$0x4]  }
0x18: {  	[tilespmem:s2], [sflag:$0x5] =	stream.linear.gather [hbm4b:s23+s2], $0x400, $0x38;
	[tilespmem:$0x10400] =	vst v63  }
0x19: {  	s23 =	simm.s32 $0x5  }
0x1a: {  	_ =	swait.ge [sflag:s23], $0x400  }
0x1b: {  	[sflag:s23] =	ssyncset.done $0x0  }
0x1c: {  	[sflag:s23] =	ssyncadd.s32 $0xFFFFFC00  }
0x1d: {  	v3 =	vld [tilespmem:$0x0];
	_ =	sdelay $0x4  }
0x1e: {  	v4 =	vshll.u32 v3, $0x3  }
0x1f: {  	v3 =	vand.u32 $0x7, v3;
	v4 =	vand.u32 $0xFFFFFFC0, v4  }
0x20: {  	v3 =	vor.u32 v3, v4  }
0x21: {  	v4 =	vperm.xlane v3, v0;
	_ =	sdelay $0x1  }
0x22: {  	v4 =	vadd.s32 v1, v4;
	_ =	sdelay $0x4  }
0x23: {  	[tilespmem:s31], [sflag:$0x1] =	stream.indirect_vreg.gather [hbm4b:s3+s2], $0x80, v4, vm0, $0xb8;
	[tilespmem:$0x10400] =	vst v63  }
0x24: {  	v3 =	vperm.xlane v3, v2  }
0x25: {  	[tilespmem:s25], [sflag:$0x1] =	stream.indirect_vreg.gather [hbm4b:s5+s2], $0x80, v4, vm0, $0xb8;
	[tilespmem:$0x10400] =	vst v63  }
0x26: {  	v3 =	vadd.s32 v1, v3  }
0x27: {  	[tilespmem:s26], [sflag:$0x1] =	stream.indirect_vreg.gather [hbm4b:s6+s2], $0x80, v4, vm0, $0xb8;
	[tilespmem:$0x10400] =	vst v63  }
0x28: {  	_ = 	snop  }
0x29: {  	[tilespmem:s24], [sflag:$0x1] =	stream.indirect_vreg.gather [hbm4b:s7+s2], $0x80, v4, vm0, $0xb8;
	[tilespmem:$0x10400] =	vst v63  }
0x2a: {  	_ = 	snop  }
0x2b: {  	[tilespmem:s28], [sflag:$0x1] =	stream.indirect_vreg.gather [hbm4b:s3+s2], $0x80, v3, vm0, $0xb8;
	[tilespmem:$0x10400] =	vst v63  }
0x2c: {  	_ = 	snop  }
0x2d: {  	[tilespmem:s30], [sflag:$0x1] =	stream.indirect_vreg.gather [hbm4b:s5+s2], $0x80, v3, vm0, $0xb8;
	[tilespmem:$0x10400] =	vst v63  }
0x2e: {  	_ = 	snop  }
0x2f: {  	[tilespmem:s29], [sflag:$0x1] =	stream.indirect_vreg.gather [hbm4b:s6+s2], $0x80, v3, vm0, $0xb8;
	[tilespmem:$0x10400] =	vst v63  }
0x30: {  	_ = 	snop  }
0x31: {  	[tilespmem:s1], [sflag:$0x1] =	stream.indirect_vreg.gather [hbm4b:s7+s2], $0x80, v3, vm0, $0xb8;
	[tilespmem:$0x10400] =	vst v63  }
0x32: {  	v3 =	vld [tilespmem:$0x10];
	_ =	sdelay $0x4  }
0x33: {  	v61 =	vshll.u32 v3, $0x3  }
0x34: {  	v3 =	vand.u32 $0x7, v3;
	v4 =	vand.u32 $0xFFFFFFC0, v61  }
0x35: {  	v3 =	vor.u32 v3, v4  }
0x36: {  	v4 =	vperm.xlane v3, v0;
	_ =	sdelay $0x1  }
0x37: {  	v4 =	vadd.s32 v1, v4;
	_ =	sdelay $0x4  }
0x38: {  	[tilespmem:s4], [sflag:$0x1] =	stream.indirect_vreg.gather [hbm4b:s3+s2], $0x80, v4, vm0, $0xb8;
	[tilespmem:$0x10400] =	vst v63  }
0x39: {  	v3 =	vperm.xlane v3, v2  }
0x3a: {  	[tilespmem:s9], [sflag:$0x1] =	stream.indirect_vreg.gather [hbm4b:s5+s2], $0x80, v4, vm0, $0xb8;
	[tilespmem:$0x10400] =	vst v63  }
0x3b: {  	v3 =	vadd.s32 v1, v3  }
0x3c: {  	[tilespmem:s10], [sflag:$0x1] =	stream.indirect_vreg.gather [hbm4b:s6+s2], $0x80, v4, vm0, $0xb8;
	[tilespmem:$0x10400] =	vst v63  }
0x3d: {  	_ = 	snop  }
0x3e: {  	[tilespmem:s8], [sflag:$0x1] =	stream.indirect_vreg.gather [hbm4b:s7+s2], $0x80, v4, vm0, $0xb8;
	[tilespmem:$0x10400] =	vst v63  }
0x3f: {  	_ = 	snop  }
0x40: {  	[tilespmem:s11], [sflag:$0x1] =	stream.indirect_vreg.gather [hbm4b:s3+s2], $0x80, v3, vm0, $0xb8;
	[tilespmem:$0x10400] =	vst v63  }
0x41: {  	_ = 	snop  }
0x42: {  	[tilespmem:s13], [sflag:$0x1] =	stream.indirect_vreg.gather [hbm4b:s5+s2], $0x80, v3, vm0, $0xb8;
	[tilespmem:$0x10400] =	vst v63  }
0x43: {  	_ = 	snop  }
0x44: {  	[tilespmem:s14], [sflag:$0x1] =	stream.indirect_vreg.gather [hbm4b:s6+s2], $0x80, v3, vm0, $0xb8;
	[tilespmem:$0x10400] =	vst v63  }
0x45: {  	_ = 	snop  }
0x46: {  	[tilespmem:s15], [sflag:$0x1] =	stream.indirect_vreg.gather [hbm4b:s7+s2], $0x80, v3, vm0, $0xb8;
	[tilespmem:$0x10400] =	vst v63  }
0x47: {  	v3 =	vld [tilespmem:$0x20];
	_ =	sdelay $0x4  }
0x48: {  	v62 =	vshll.u32 v3, $0x3  }
0x49: {  	v3 =	vand.u32 $0x7, v3;
	v4 =	vand.u32 $0xFFFFFFC0, v62  }
0x4a: {  	v3 =	vor.u32 v3, v4  }
0x4b: {  	v4 =	vperm.xlane v3, v0;
	_ =	sdelay $0x1  }
0x4c: {  	v4 =	vadd.s32 v1, v4;
	_ =	sdelay $0x4  }
0x4d: {  	[tilespmem:s0], [sflag:$0x2] =	stream.indirect_vreg.gather [hbm4b:s3+s2], $0x80, v4, vm0, $0xb8;
	[tilespmem:$0x10400] =	vst v63  }
0x4e: {  	v3 =	vperm.xlane v3, v2  }
0x4f: {  	[tilespmem:s16], [sflag:$0x2] =	stream.indirect_vreg.gather [hbm4b:s5+s2], $0x80, v4, vm0, $0xb8;
	[tilespmem:$0x10400] =	vst v63  }
0x50: {  	v3 =	vadd.s32 v1, v3  }
0x51: {  	[tilespmem:s17], [sflag:$0x2] =	stream.indirect_vreg.gather [hbm4b:s6+s2], $0x80, v4, vm0, $0xb8;
	[tilespmem:$0x10400] =	vst v63  }
0x52: {  	_ = 	snop  }
0x53: {  	[tilespmem:s18], [sflag:$0x2] =	stream.indirect_vreg.gather [hbm4b:s7+s2], $0x80, v4, vm0, $0xb8;
	[tilespmem:$0x10400] =	vst v63  }
0x54: {  	_ = 	snop  }
0x55: {  	[tilespmem:s12], [sflag:$0x2] =	stream.indirect_vreg.gather [hbm4b:s3+s2], $0x80, v3, vm0, $0xb8;
	[tilespmem:$0x10400] =	vst v63  }
0x56: {  	s10 =	simm.s32 $0xAC00  }
0x57: {  	[tilespmem:s10], [sflag:$0x2] =	stream.indirect_vreg.gather [hbm4b:s5+s2], $0x80, v3, vm0, $0xb8;
	[tilespmem:$0x10400] =	vst v63  }
0x58: {  	s11 =	simm.s32 $0xB400  }
0x59: {  	[tilespmem:s11], [sflag:$0x2] =	stream.indirect_vreg.gather [hbm4b:s6+s2], $0x80, v3, vm0, $0xb8;
	[tilespmem:$0x10400] =	vst v63  }
0x5a: {  	s12 =	simm.s32 $0xBC00  }
0x5b: {  	[tilespmem:s12], [sflag:$0x2] =	stream.indirect_vreg.gather [hbm4b:s7+s2], $0x80, v3, vm0, $0xb8;
	[tilespmem:$0x10400] =	vst v63  }
0x5c: {  	v3 =	vld [tilespmem:$0x30];
	_ =	sdelay $0x4  }
0x5d: {  	v63 =	vshll.u32 v3, $0x3  }
0x5e: {  	v3 =	vand.u32 $0x7, v3;
	v4 =	vand.u32 $0xFFFFFFC0, v63  }
0x5f: {  	v3 =	vor.u32 v3, v4  }
0x60: {  	v4 =	vperm.xlane v3, v0;
	_ =	sdelay $0x1  }
0x61: {  	v4 =	vadd.s32 v1, v4;
	_ =	sdelay $0x3  }
0x62: {  	s13 =	simm.s32 $0xC400  }
0x63: {  	[tilespmem:s13], [sflag:$0x2] =	stream.indirect_vreg.gather [hbm4b:s3+s2], $0x80, v4, vm0, $0xb8;
	[tilespmem:$0x10400] =	vst v63  }
0x64: {  	s14 =	simm.s32 $0xCC00;
	v3 =	vperm.xlane v3, v2  }
0x65: {  	[tilespmem:s14], [sflag:$0x2] =	stream.indirect_vreg.gather [hbm4b:s5+s2], $0x80, v4, vm0, $0xb8;
	[tilespmem:$0x10400] =	vst v63  }
0x66: {  	s15 =	simm.s32 $0xD400;
	v3 =	vadd.s32 v1, v3  }
0x67: {  	[tilespmem:s15], [sflag:$0x2] =	stream.indirect_vreg.gather [hbm4b:s6+s2], $0x80, v4, vm0, $0xb8;
	[tilespmem:$0x10400] =	vst v63  }
0x68: {  	s23 =	simm.s32 $0xF400;
	s24 =	simm.s32 $0xFC00;
	s16 =	simm.s32 $0xDC00  }
0x69: {  	[tilespmem:s16], [sflag:$0x2] =	stream.indirect_vreg.gather [hbm4b:s7+s2], $0x80, v4, vm0, $0xb8;
	[tilespmem:$0x10400] =	vst v63  }
0x6a: {  	s28 =	simm.s32 $0x1C00;
	s29 =	simm.s32 $0x400;
	s17 =	simm.s32 $0xE400  }
0x6b: {  	[tilespmem:s17], [sflag:$0x2] =	stream.indirect_vreg.gather [hbm4b:s3+s2], $0x80, v3, vm0, $0xb8;
	[tilespmem:$0x10400] =	vst v63  }
0x6c: {  	s1 =	simm.s32 $0x3C00;
	s4 =	simm.s32 $0x4400;
	s18 =	simm.s32 $0xEC00  }
0x6d: {  	[tilespmem:s18], [sflag:$0x2] =	stream.indirect_vreg.gather [hbm4b:s5+s2], $0x80, v3, vm0, $0xb8;
	[tilespmem:$0x10400] =	vst v63  }
0x6e: {  	s9 =	simm.s32 $0x4C00;
	s8 =	simm.s32 $0x5C00;
	s10 =	simm.s32 $0x5400  }
0x6f: {  	[tilespmem:s23], [sflag:$0x2] =	stream.indirect_vreg.gather [hbm4b:s6+s2], $0x80, v3, vm0, $0xb8;
	[tilespmem:$0x10400] =	vst v63  }
0x70: {  	s11 =	simm.s32 $0x6400;
	s12 =	simm.s32 $0xA400;
	s13 =	simm.s32 $0x6C00  }
0x71: {  	[tilespmem:s24], [sflag:$0x2] =	stream.indirect_vreg.gather [hbm4b:s7+s2], $0x80, v3, vm0, $0xb8;
	[tilespmem:$0x10400] =	vst v63  }
0x72: {  	s14 =	simm.s32 $0x7400;
	s15 =	simm.s32 $0x7C00;
	_ =	swait.ge [sflag:s19], $0x8000  }
0x73: {  	s16 =	simm.s32 $0x8C00;
	s17 =	simm.s32 $0x9400;
	[sflag:s19] =	ssyncset.done $0x0  }
0x74: {  	s18 =	simm.s32 $0x9C00;
	s30 =	rddreg [dreg:$0x5];
	[sflag:s19] =	ssyncadd.s32 $0xFFFF8000  }
0x75: {  	[hbm4b:s30+s2] =	stream.linear.scatter [tilespmem:s31], [sflag:$0x3], $0x8000, $0x38;
	[tilespmem:$0x10400] =	vst v63  }
0x76: {  	s23 =	simm.s32 $0xFFFE2000;
	s24 =	simm.s32 $0x70;
	s31 =	simm.s32 $0x2C00  }
.LBB2_2:
0x77: {  	_ =	swait.ge [sflag:s20], $0x8000  }
0x78: {  	[sflag:s20] =	ssyncset.done $0x0  }
0x79: {  	[sflag:s20] =	ssyncadd.s32 $0xFFFF8000  }
0x7a: {  	v3 =	vld [tilespmem:s24+$0xFFFFFFD0];
	_ =	sdelay $0x4  }
0x7b: {  	v4 =	vshll.u32 v3, $0x3  }
0x7c: {  	v3 =	vand.u32 $0x7, v3;
	v4 =	vand.u32 $0xFFFFFFC0, v4  }
0x7d: {  	v3 =	vor.u32 v3, v4  }
0x7e: {  	v4 =	vperm.xlane v3, v0;
	_ =	sdelay $0x1  }
0x7f: {  	v4 =	vadd.s32 v1, v4;
	_ =	sdelay $0x4  }
0x80: {  	[tilespmem:s29], [sflag:$0x1] =	stream.indirect_vreg.gather [hbm4b:s3+s2], $0x80, v4, vm0, $0xb8;
	[tilespmem:$0x10400] =	vst v63  }
0x81: {  	v3 =	vperm.xlane v3, v2  }
0x82: {  	[tilespmem:s25], [sflag:$0x1] =	stream.indirect_vreg.gather [hbm4b:s5+s2], $0x80, v4, vm0, $0xb8;
	[tilespmem:$0x10400] =	vst v63  }
0x83: {  	v3 =	vadd.s32 v1, v3  }
0x84: {  	[tilespmem:s26], [sflag:$0x1] =	stream.indirect_vreg.gather [hbm4b:s6+s2], $0x80, v4, vm0, $0xb8;
	[tilespmem:$0x10400] =	vst v63  }
0x85: {  	_ = 	snop  }
0x86: {  	[tilespmem:s28], [sflag:$0x1] =	stream.indirect_vreg.gather [hbm4b:s7+s2], $0x80, v4, vm0, $0xb8;
	[tilespmem:$0x10400] =	vst v63  }
0x87: {  	s0 =	simm.s32 $0x2400  }
0x88: {  	[tilespmem:s0], [sflag:$0x1] =	stream.indirect_vreg.gather [hbm4b:s3+s2], $0x80, v3, vm0, $0xb8;
	[tilespmem:$0x10400] =	vst v63  }
0x89: {  	_ = 	snop  }
0x8a: {  	[tilespmem:s31], [sflag:$0x1] =	stream.indirect_vreg.gather [hbm4b:s5+s2], $0x80, v3, vm0, $0xb8;
	[tilespmem:$0x10400] =	vst v63  }
0x8b: {  	s26 =	simm.s32 $0x3400  }
0x8c: {  	[tilespmem:s26], [sflag:$0x1] =	stream.indirect_vreg.gather [hbm4b:s6+s2], $0x80, v3, vm0, $0xb8;
	[tilespmem:$0x10400] =	vst v63  }
0x8d: {  	_ = 	snop  }
0x8e: {  	[tilespmem:s1], [sflag:$0x1] =	stream.indirect_vreg.gather [hbm4b:s7+s2], $0x80, v3, vm0, $0xb8;
	[tilespmem:$0x10400] =	vst v63  }
0x8f: {  	v3 =	vld [tilespmem:s24+$0xFFFFFFE0];
	_ =	sdelay $0x4  }
0x90: {  	v61 =	vshll.u32 v3, $0x3  }
0x91: {  	v3 =	vand.u32 $0x7, v3;
	v4 =	vand.u32 $0xFFFFFFC0, v61  }
0x92: {  	v3 =	vor.u32 v3, v4  }
0x93: {  	v4 =	vperm.xlane v3, v0;
	_ =	sdelay $0x1  }
0x94: {  	v4 =	vadd.s32 v1, v4;
	_ =	sdelay $0x4  }
0x95: {  	[tilespmem:s4], [sflag:$0x1] =	stream.indirect_vreg.gather [hbm4b:s3+s2], $0x80, v4, vm0, $0xb8;
	[tilespmem:$0x10400] =	vst v63  }
0x96: {  	v3 =	vperm.xlane v3, v2  }
0x97: {  	[tilespmem:s9], [sflag:$0x1] =	stream.indirect_vreg.gather [hbm4b:s5+s2], $0x80, v4, vm0, $0xb8;
	[tilespmem:$0x10400] =	vst v63  }
0x98: {  	v3 =	vadd.s32 v1, v3  }
0x99: {  	[tilespmem:s10], [sflag:$0x1] =	stream.indirect_vreg.gather [hbm4b:s6+s2], $0x80, v4, vm0, $0xb8;
	[tilespmem:$0x10400] =	vst v63  }
0x9a: {  	_ = 	snop  }
0x9b: {  	[tilespmem:s8], [sflag:$0x1] =	stream.indirect_vreg.gather [hbm4b:s7+s2], $0x80, v4, vm0, $0xb8;
	[tilespmem:$0x10400] =	vst v63  }
0x9c: {  	_ = 	snop  }
0x9d: {  	[tilespmem:s11], [sflag:$0x1] =	stream.indirect_vreg.gather [hbm4b:s3+s2], $0x80, v3, vm0, $0xb8;
	[tilespmem:$0x10400] =	vst v63  }
0x9e: {  	_ = 	snop  }
0x9f: {  	[tilespmem:s13], [sflag:$0x1] =	stream.indirect_vreg.gather [hbm4b:s5+s2], $0x80, v3, vm0, $0xb8;
	[tilespmem:$0x10400] =	vst v63  }
0xa0: {  	_ = 	snop  }
0xa1: {  	[tilespmem:s14], [sflag:$0x1] =	stream.indirect_vreg.gather [hbm4b:s6+s2], $0x80, v3, vm0, $0xb8;
	[tilespmem:$0x10400] =	vst v63  }
0xa2: {  	_ = 	snop  }
0xa3: {  	[tilespmem:s15], [sflag:$0x1] =	stream.indirect_vreg.gather [hbm4b:s7+s2], $0x80, v3, vm0, $0xb8;
	[tilespmem:$0x10400] =	vst v63  }
0xa4: {  	_ =	swait.ge [sflag:s21], $0x8000  }
0xa5: {  	s30 =	rddreg [dreg:$0x3]  }
0xa6: {  	[sflag:s21] =	ssyncset.done $0x0;
	s25 =	sadd.s32 s23, s30  }
0xa7: {  	[sflag:s21] =	ssyncadd.s32 $0xFFFF8000;
	s30 =	simm.s32 $0x8400;
	s0 =	sadd.s32 $0x1F000, s25  }
0xa8: {  	[hbm4b:s0+s2] =	stream.linear.scatter [tilespmem:s30], [sflag:$0x4], $0x8000, $0x38;
	[tilespmem:$0x10400] =	vst v63  }
0xa9: {  	_ =	swait.ge [sflag:s22], $0x8000  }
0xaa: {  	[sflag:s22] =	ssyncset.done $0x0  }
0xab: {  	[sflag:s22] =	ssyncadd.s32 $0xFFFF8000  }
0xac: {  	v3 =	vld [tilespmem:s24+$0xFFFFFFF0];
	_ =	sdelay $0x4  }
0xad: {  	v62 =	vshll.u32 v3, $0x3  }
0xae: {  	v3 =	vand.u32 $0x7, v3;
	v4 =	vand.u32 $0xFFFFFFC0, v62  }
0xaf: {  	v3 =	vor.u32 v3, v4  }
0xb0: {  	v4 =	vperm.xlane v3, v0;
	_ =	sdelay $0x1  }
0xb1: {  	v4 =	vadd.s32 v1, v4;
	_ =	sdelay $0x4  }
0xb2: {  	[tilespmem:s30], [sflag:$0x2] =	stream.indirect_vreg.gather [hbm4b:s3+s2], $0x80, v4, vm0, $0xb8;
	[tilespmem:$0x10400] =	vst v63  }
0xb3: {  	v3 =	vperm.xlane v3, v2  }
0xb4: {  	[tilespmem:s16], [sflag:$0x2] =	stream.indirect_vreg.gather [hbm4b:s5+s2], $0x80, v4, vm0, $0xb8;
	[tilespmem:$0x10400] =	vst v63  }
0xb5: {  	v3 =	vadd.s32 v1, v3  }
0xb6: {  	[tilespmem:s17], [sflag:$0x2] =	stream.indirect_vreg.gather [hbm4b:s6+s2], $0x80, v4, vm0, $0xb8;
	[tilespmem:$0x10400] =	vst v63  }
0xb7: {  	_ = 	snop  }
0xb8: {  	[tilespmem:s18], [sflag:$0x2] =	stream.indirect_vreg.gather [hbm4b:s7+s2], $0x80, v4, vm0, $0xb8;
	[tilespmem:$0x10400] =	vst v63  }
0xb9: {  	_ = 	snop  }
0xba: {  	[tilespmem:s12], [sflag:$0x2] =	stream.indirect_vreg.gather [hbm4b:s3+s2], $0x80, v3, vm0, $0xb8;
	[tilespmem:$0x10400] =	vst v63  }
0xbb: {  	s30 =	simm.s32 $0xAC00  }
0xbc: {  	[tilespmem:s30], [sflag:$0x2] =	stream.indirect_vreg.gather [hbm4b:s5+s2], $0x80, v3, vm0, $0xb8;
	[tilespmem:$0x10400] =	vst v63  }
0xbd: {  	s30 =	simm.s32 $0xB400  }
0xbe: {  	[tilespmem:s30], [sflag:$0x2] =	stream.indirect_vreg.gather [hbm4b:s6+s2], $0x80, v3, vm0, $0xb8;
	[tilespmem:$0x10400] =	vst v63  }
0xbf: {  	s30 =	simm.s32 $0xBC00  }
0xc0: {  	[tilespmem:s30], [sflag:$0x2] =	stream.indirect_vreg.gather [hbm4b:s7+s2], $0x80, v3, vm0, $0xb8;
	[tilespmem:$0x10400] =	vst v63  }
0xc1: {  	v3 =	vld [tilespmem:s24+$0x0];
	_ =	sdelay $0x4  }
0xc2: {  	v63 =	vshll.u32 v3, $0x3  }
0xc3: {  	v3 =	vand.u32 $0x7, v3;
	v4 =	vand.u32 $0xFFFFFFC0, v63  }
0xc4: {  	v3 =	vor.u32 v3, v4  }
0xc5: {  	v4 =	vperm.xlane v3, v0;
	_ =	sdelay $0x1  }
0xc6: {  	v4 =	vadd.s32 v1, v4;
	_ =	sdelay $0x3  }
0xc7: {  	s30 =	simm.s32 $0xC400  }
0xc8: {  	[tilespmem:s30], [sflag:$0x2] =	stream.indirect_vreg.gather [hbm4b:s3+s2], $0x80, v4, vm0, $0xb8;
	[tilespmem:$0x10400] =	vst v63  }
0xc9: {  	v3 =	vperm.xlane v3, v2;
	s30 =	simm.s32 $0xCC00  }
0xca: {  	[tilespmem:s30], [sflag:$0x2] =	stream.indirect_vreg.gather [hbm4b:s5+s2], $0x80, v4, vm0, $0xb8;
	[tilespmem:$0x10400] =	vst v63  }
0xcb: {  	v3 =	vadd.s32 v1, v3;
	s30 =	simm.s32 $0xD400  }
0xcc: {  	[tilespmem:s30], [sflag:$0x2] =	stream.indirect_vreg.gather [hbm4b:s6+s2], $0x80, v4, vm0, $0xb8;
	[tilespmem:$0x10400] =	vst v63  }
0xcd: {  	s30 =	simm.s32 $0xDC00  }
0xce: {  	[tilespmem:s30], [sflag:$0x2] =	stream.indirect_vreg.gather [hbm4b:s7+s2], $0x80, v4, vm0, $0xb8;
	[tilespmem:$0x10400] =	vst v63  }
0xcf: {  	s30 =	simm.s32 $0xE400  }
0xd0: {  	[tilespmem:s30], [sflag:$0x2] =	stream.indirect_vreg.gather [hbm4b:s3+s2], $0x80, v3, vm0, $0xb8;
	[tilespmem:$0x10400] =	vst v63  }
0xd1: {  	s30 =	simm.s32 $0xEC00  }
0xd2: {  	[tilespmem:s30], [sflag:$0x2] =	stream.indirect_vreg.gather [hbm4b:s5+s2], $0x80, v3, vm0, $0xb8;
	[tilespmem:$0x10400] =	vst v63  }
0xd3: {  	s30 =	simm.s32 $0xF400  }
0xd4: {  	[tilespmem:s30], [sflag:$0x2] =	stream.indirect_vreg.gather [hbm4b:s6+s2], $0x80, v3, vm0, $0xb8;
	[tilespmem:$0x10400] =	vst v63  }
0xd5: {  	p0 =	sne.s32 s23, $0xFFFFE000;
	s30 =	simm.s32 $0xFC00  }
0xd6: {  	[tilespmem:s30], [sflag:$0x2] =	stream.indirect_vreg.gather [hbm4b:s7+s2], $0x80, v3, vm0, $0xb8;
	[tilespmem:$0x10400] =	vst v63  }
.Ltmp0:
0xd7: {  	_ =	swait.ge [sflag:s19], $0x8000;
	(pc) =	sbr.rel @p0 .LBB2_2-.Ltmp0, $4  }
0xd8: {  	s26 =	simm.s32 $0x1400;
	[sflag:s19] =	ssyncset.done $0x0  }
0xd9: {  	s23 =	sadd.s32 $0x2000, s23;
	s25 =	sadd.s32 $0x20000, s25;
	[sflag:s19] =	ssyncadd.s32 $0xFFFF8000  }
0xda: {  	[hbm4b:s25+s2] =	stream.linear.scatter [tilespmem:s29], [sflag:$0x3], $0x8000, $0x38;
	[tilespmem:$0x10400] =	vst v63  }
0xdb: {  	s0 =	simm.s32 $0x8400;
	s24 =	sadd.s32 $0x40, s24;
	s25 =	simm.s32 $0xC00  }
0xdc: {  	_ =	swait.ge [sflag:s20], $0x8000  }
0xdd: {  	[sflag:s20] =	ssyncset.done $0x0  }
0xde: {  	[sflag:s20] =	ssyncadd.s32 $0xFFFF8000  }
0xdf: {  	_ =	swait.ge [sflag:s21], $0x8000  }
0xe0: {  	[sflag:s21] =	ssyncset.done $0x0  }
0xe1: {  	s23 =	rddreg [dreg:$0x6];
	[sflag:s21] =	ssyncadd.s32 $0xFFFF8000  }
0xe2: {  	[hbm4b:s23+s2] =	stream.linear.scatter [tilespmem:s0], [sflag:$0x4], $0x8000, $0x38;
	[tilespmem:$0x10400] =	vst v63  }
0xe3: {  	s28 =	simm.s32 $0x2400;
	s30 =	simm.s32 $0x2C00;
	_ =	swait.ge [sflag:s22], $0x8000  }
0xe4: {  	s29 =	simm.s32 $0x3400;
	s4 =	simm.s32 $0x4400;
	s1 =	rddreg [dreg:$0x8]  }
0xe5: {  	s9 =	simm.s32 $0x4C00;
	s24 =	rddreg [dreg:$0x7];
	s1 =	sadd.s32 $0x1, s1  }
0xe6: {  	s10 =	simm.s32 $0x5400;
	s8 =	simm.s32 $0x5C00;
	p0 =	sne.s32 s1, s24  }
.Ltmp1:
0xe7: {  	s11 =	simm.s32 $0x6400;
	s13 =	simm.s32 $0x6C00;
	(pc) =	sbr.rel @p0 .LBB2_1-.Ltmp1, $4  }
0xe8: {  	s14 =	simm.s32 $0x7400;
	s15 =	simm.s32 $0x7C00;
	s16 =	simm.s32 $0x8C00  }
0xe9: {  	s17 =	simm.s32 $0x9400;
	s18 =	simm.s32 $0x9C00;
	[sflag:s22] =	ssyncset.done $0x0  }
0xea: {  	s12 =	simm.s32 $0xA400;
	s31 =	simm.s32 $0x400;
	[sflag:s22] =	ssyncadd.s32 $0xFFFF8000  }
0xeb: {  	[dreg:$0x8] =	wrdreg s1;
	s24 =	simm.s32 $0x1C00;
	s1 =	simm.s32 $0x3C00  }
0xec: {  	_ =	sfence.sel $0x180000  }
0xed: {  	[bflag:$0x0] =	sbarrier.arrive $0xFFFF  }
0xee: {  	_ =	strace $0x90000047  }
0xef: {  	s0 =	stileid.u32;
	[bflag:$0x2] =	sbarrier.arrive $0xFFFF  }
0xf0: {  	p0 =	sne.s32 s0, $0x0;
	s0 =	rddreg [dreg:$0x2]  }
0xf1: {  	s0 =	sadd.s32 @!p0 $0x100000, s0  }
0xf2: {  	[sflag:s0] =	ssyncadd.tile.s32 @!p0 $0x1;
	_ =	shalt  }
.Lfunc_end2:
_tile_overlayer_lowered:
.L_overlay_start_2:
0xf3: {  	(tag) =	ssettag $0x2  }
0xf4: {  	s0 =	rddreg [dreg:$0x0];
	s2 =	stileid.u32  }
0xf5: {  	s1 =	rddreg [dreg:$0x1];
	p0 =	sne.s32 s2, $0x0  }
0xf6: {  	s3 =	rddreg [dreg:$0x2];
	[bflag:$0x3] =	sbarrier.arrive $0xFFFF;
	s2 =	simm.s32 @!p0 $0x1C05  }
0xf7: {  	[timem:s3], [sflag:s2] =	dma.local @!p0 [hbm:s0], s1  }
0xf8: {  	s0 =	simm.s32 @!p0 $0x5  }
0xf9: {  	_ =	swait.ge @!p0 [sflag:s0], s1  }
0xfa: {  	s1 =	ssub.s32 @!p0 $0x0, s1;
	[sflag:s0] =	ssyncset.done @!p0 $0x0  }
0xfb: {  	[sflag:s0] =	ssyncadd.s32 @!p0 s1  }
0xfc: {  	[bflag:$0x3] =	sbarrier.arrive $0xFFFF  }
0xfd: {  	_ =	shalt  }

</sc_bundles>
